<compile_context>
chip_gen: v7x
topology: tpu7x:2x2x1
jax: 0.10.2.dev20260603
libtpu: 0.0.44.dev20260713+nightly
codegen_flags: <defaults>
</compile_context>

<pallas_src>
import functools

import jax
import jax.numpy as jnp
from jax import lax
from jax.experimental import pallas as pl
from jax.experimental.pallas import tpu as pltpu
from jax.experimental.pallas import tpu_sc as plsc

_N = 10000
_E = 320000
_D = 128

_NC = 2
_NS = 16
_LANE = 128
_EPT = _E // (_NC * _NS)
_CHUNKS = -(-_EPT // _LANE)
_EPT_PAD = _CHUNKS * _LANE
_E_PAD = _NC * _NS * _EPT_PAD
_N_PAD = 10240
_NPT = _N_PAD // _NS
_FULL = _EPT // _LANE
_EROWS = _E // _LANE
_TROWS = _EROWS - _FULL * _NC * _NS
_ROWS = _FULL + _TROWS


def _sc_count_body(edges_hbm, out_hbm, idx_v, ones_v, zblk_v, counts_sh, sem):
    cid = lax.axis_index("c")
    sid = lax.axis_index("s")
    wid = cid * _NS + sid

    for i in range(_LANE // 16):
        ones_v[pl.ds(i * 16, 16)] = jnp.ones((16,), jnp.float32)
    for i in range(_NPT // 16):
        zblk_v[pl.ds(i * 16, 16)] = jnp.zeros((16,), jnp.float32)

    pltpu.sync_copy(zblk_v, counts_sh.at[pl.ds(sid * _NPT, _NPT)])
    pltpu.sync_copy(edges_hbm.at[pl.ds(wid * _FULL, _FULL)],
                    idx_v.at[pl.ds(0, _FULL)])
    pltpu.sync_copy(edges_hbm.at[pl.ds(_FULL * _NC * _NS, _TROWS)],
                    idx_v.at[pl.ds(_FULL, _TROWS)])
    plsc.subcore_barrier()

    def fire(j, carry):
        pltpu.async_copy(ones_v, counts_sh.at[idx_v.at[j, 1]], sem, add=True)
        return carry

    lax.fori_loop(0, _ROWS, fire, 0, unroll=False)

    def drain(j, carry):
        pltpu.make_async_copy(ones_v, counts_sh.at[idx_v.at[0, 1]], sem).wait()
        return carry

    lax.fori_loop(0, _ROWS, drain, 0, unroll=False)
    plsc.subcore_barrier()

    pltpu.sync_copy(counts_sh.at[pl.ds(sid * _NPT, _NPT)],
                    out_hbm.at[cid, pl.ds(sid * _NPT, _NPT)])


_sc_count = functools.partial(
    pl.kernel,
    out_type=jax.ShapeDtypeStruct((_NC, _N_PAD), jnp.float32),
    mesh=plsc.VectorSubcoreMesh(core_axis_name="c", subcore_axis_name="s"),
    scratch_types=[
        pltpu.VMEM((_ROWS, 2, _LANE), jnp.int32),
        pltpu.VMEM((_LANE,), jnp.float32),
        pltpu.VMEM((_NPT,), jnp.float32),
        pltpu.VMEM_SHARED((_N_PAD,), jnp.float32),
        pltpu.SemaphoreType.DMA,
    ],
)(_sc_count_body)


def _tc_mm_body(x_ref, wv_ref, bv_ref, o_ref):
    acc = jnp.dot(x_ref[...], wv_ref[...], preferred_element_type=jnp.float32)
    o_ref[...] = acc + bv_ref[...]


def _tc_mm(x, wv, bv2d):
    blk = 10000
    grid = _N // blk
    return pl.pallas_call(
        _tc_mm_body,
        grid=(grid,),
        in_specs=[
            pl.BlockSpec((blk, _D), lambda j: (j, 0)),
            pl.BlockSpec((_D, _D), lambda j: (0, 0)),
            pl.BlockSpec((1, _D), lambda j: (0, 0)),
        ],
        out_specs=pl.BlockSpec((blk, _D), lambda j: (j, 0)),
        out_shape=jax.ShapeDtypeStruct((_N, _D), jnp.float32),
    )(x, wv, bv2d)


def _tc_mask_body(xv_ref, m_ref, o_ref):
    m = m_ref[...] > 0
    o_ref[...] = jnp.where(m, xv_ref[...], 0.0)


def _tc_mask(xv, m_col):
    blk = 10000
    grid = _N // blk
    return pl.pallas_call(
        _tc_mask_body,
        grid=(grid,),
        in_specs=[
            pl.BlockSpec((blk, _D), lambda j: (j, 0)),
            pl.BlockSpec((blk, 1), lambda j: (j, 0)),
        ],
        out_specs=pl.BlockSpec((blk, _D), lambda j: (j, 0)),
        out_shape=jax.ShapeDtypeStruct((_N, _D), jnp.float32),
    )(xv, m_col)


def kernel(x, edge_index, edge_attr, Wq, bq, Wk, bk, Wv, bv, We, be, aw, ab):
    edges3 = edge_index.reshape(2, _EROWS, _LANE).transpose(1, 0, 2)

    counts = _sc_count(edges3)
    xv = _tc_mm(x, Wv, bv.reshape(1, _D))
    m_col = (counts[0, :_N] + counts[1, :_N] > 0).astype(jnp.bfloat16)[:, None]

    return _tc_mask(xv, m_col)

# --- scband reference (transcript-rebuilt; emitter-appended) ---
"""Pipeline reference for scband-gatv2-layer-1760936591672 (READ-ONLY COPY).

The authoritative reference and input builder live on the scoring server;
editing this copy changes nothing except your own understanding.
"""

import jax, jax.numpy as jnp
import numpy as np

N = 10000
E = 320000
D = 128
DE = 16
SLOPE = 0.2

def leaky_relu(z, slope=SLOPE):
    return jnp.where(z >= 0, z, slope * z)

def setup_inputs(seed: int = 0):
    key = jax.random.key(seed)
    ks = jax.random.split(key, 12)
    x = jax.random.normal(ks[0], (N, D), dtype=jnp.float32)
    edge_index = jax.random.randint(ks[1], (2, E), 0, N, dtype=jnp.int32)
    edge_attr = jax.random.normal(ks[2], (E, DE), dtype=jnp.float32)
    s = 1.0 / np.sqrt(D)
    se = 1.0 / np.sqrt(DE)
    Wq = jax.random.uniform(ks[3], (D, D), jnp.float32, -s, s)
    bq = jnp.zeros((D,), jnp.float32)
    Wk = jax.random.uniform(ks[4], (D, D), jnp.float32, -s, s)
    bk = jnp.zeros((D,), jnp.float32)
    Wv = jax.random.uniform(ks[5], (D, D), jnp.float32, -s, s)
    bv = jnp.zeros((D,), jnp.float32)
    We = jax.random.uniform(ks[6], (DE, D), jnp.float32, -se, se)
    be = jnp.zeros((D,), jnp.float32)
    aw = jax.random.uniform(ks[7], (D, 1), jnp.float32, -s, s)
    ab = jnp.zeros((1,), jnp.float32)
    return {"x": x, "edge_index": edge_index, "edge_attr": edge_attr,
            "Wq": Wq, "bq": bq, "Wk": Wk, "bk": bk, "Wv": Wv, "bv": bv,
            "We": We, "be": be, "aw": aw, "ab": ab}

def reference(x, edge_index, edge_attr, Wq, bq, Wk, bk, Wv, bv, We, be, aw, ab):
    src = edge_index[0]
    dest = edge_index[1]
    Q = x[src] @ Wq + bq
    K = x[dest] @ Wk + bk
    V = x[dest] @ Wv + bv
    bias = edge_attr @ We + be
    scores = leaky_relu(Q + K + bias) @ aw + ab  # [E, 1]
    s_flat = scores[:, 0]
    m = jax.ops.segment_max(s_flat, dest, num_segments=N)
    m = jnp.where(jnp.isfinite(m), m, 0.0)
    e = jnp.exp(s_flat - m[dest])
    denom = jax.ops.segment_sum(e, dest, num_segments=N)
    alpha = (e / denom[dest])[:, None]  # scatter_softmax over dest
    H = jax.ops.segment_sum(alpha * V, dest, num_segments=N)
    return H

if __name__ == "__main__":
    import jax
    _d = setup_inputs()
    print(jax.jit(kernel)(*tuple(_d.values())))

</pallas_src>

<mosaic_0001>
#map = affine_map<(d0, d1) -> (0, 0, 0)>
#map1 = affine_map<(d0, d1) -> (0, 0)>
module attributes {stable_mosaic.version = 14 : i64} {
  func.func @_sc_count_body(%arg0: i32, %arg1: i32, %arg2: memref<2500x2x128xi32, #tpu.memory_space<hbm>>, %arg3: memref<2x10240xf32, #tpu.memory_space<hbm>>, %arg4: memref<82x2x128xi32, #tpu.memory_space<vmem>>, %arg5: memref<128xf32, #tpu.memory_space<vmem>>, %arg6: memref<640xf32, #tpu.memory_space<vmem>>, %arg7: memref<10240xf32, #tpu.memory_space<vmem_shared>>, %arg8: memref<!tpu.dma_semaphore, #tpu.memory_space<semaphore_mem>>) attributes {dimension_semantics = [#tpu.dimension_semantics<core_parallel>, #tpu.dimension_semantics<subcore_parallel>], iteration_bounds = array<i64: 2, 16>, scalar_prefetch = 0 : i64, scratch_operands = 5 : i64, tpu.core_type = #tpu.core_type<sc_vector_subcore>, window_params = [{transform_indices = #map}, {transform_indices = #map1}]} {
    %mul3A = arith.constant 16 : i32
    %mul3A_0 = arith.muli %arg0, %mul3A : i32
    %add3A = arith.addi %mul3A_0, %arg1 : i32
    %broadcast_in_dim3A = arith.constant 1.000000e+00 : f32
    %broadcast_in_dim3A_1 = vector.broadcast %broadcast_in_dim3A : f32 to vector<16xf32>
    %swap3A = arith.constant 0 : index
    %swap3A_2 = tpu.vector_load %arg5[%swap3A] {strides = array<i32>} : memref<128xf32, #tpu.memory_space<vmem>>, vector<16xf32>,
    %swap3A_3 = vector.shape_cast %swap3A_2 : vector<16xf32> to vector<16xf32>
    %swap3A_4 = vector.shape_cast %broadcast_in_dim3A_1 : vector<16xf32> to vector<16xf32>
    tpu.vector_store %arg5[%swap3A], %swap3A_4 {strides = array<i32>} : memref<128xf32, #tpu.memory_space<vmem>>, vector<16xf32>,
    %broadcast_in_dim3A_5 = arith.constant 1.000000e+00 : f32
    %broadcast_in_dim3A_6 = vector.broadcast %broadcast_in_dim3A_5 : f32 to vector<16xf32>
    %swap3A_7 = arith.constant 16 : index
    %swap3A_8 = tpu.vector_load %arg5[%swap3A_7] {strides = array<i32>} : memref<128xf32, #tpu.memory_space<vmem>>, vector<16xf32>,
    %swap3A_9 = vector.shape_cast %swap3A_8 : vector<16xf32> to vector<16xf32>
    %swap3A_10 = vector.shape_cast %broadcast_in_dim3A_6 : vector<16xf32> to vector<16xf32>
    tpu.vector_store %arg5[%swap3A_7], %swap3A_10 {strides = array<i32>} : memref<128xf32, #tpu.memory_space<vmem>>, vector<16xf32>,
    %broadcast_in_dim3A_11 = arith.constant 1.000000e+00 : f32
    %broadcast_in_dim3A_12 = vector.broadcast %broadcast_in_dim3A_11 : f32 to vector<16xf32>
    %swap3A_13 = arith.constant 32 : index
    %swap3A_14 = tpu.vector_load %arg5[%swap3A_13] {strides = array<i32>} : memref<128xf32, #tpu.memory_space<vmem>>, vector<16xf32>,
    %swap3A_15 = vector.shape_cast %swap3A_14 : vector<16xf32> to vector<16xf32>
    %swap3A_16 = vector.shape_cast %broadcast_in_dim3A_12 : vector<16xf32> to vector<16xf32>
    tpu.vector_store %arg5[%swap3A_13], %swap3A_16 {strides = array<i32>} : memref<128xf32, #tpu.memory_space<vmem>>, vector<16xf32>,
    %broadcast_in_dim3A_17 = arith.constant 1.000000e+00 : f32
    %broadcast_in_dim3A_18 = vector.broadcast %broadcast_in_dim3A_17 : f32 to vector<16xf32>
    %swap3A_19 = arith.constant 48 : index
    %swap3A_20 = tpu.vector_load %arg5[%swap3A_19] {strides = array<i32>} : memref<128xf32, #tpu.memory_space<vmem>>, vector<16xf32>,
    %swap3A_21 = vector.shape_cast %swap3A_20 : vector<16xf32> to vector<16xf32>
    %swap3A_22 = vector.shape_cast %broadcast_in_dim3A_18 : vector<16xf32> to vector<16xf32>
    tpu.vector_store %arg5[%swap3A_19], %swap3A_22 {strides = array<i32>} : memref<128xf32, #tpu.memory_space<vmem>>, vector<16xf32>,
    %broadcast_in_dim3A_23 = arith.constant 1.000000e+00 : f32
    %broadcast_in_dim3A_24 = vector.broadcast %broadcast_in_dim3A_23 : f32 to vector<16xf32>
    %swap3A_25 = arith.constant 64 : index
    %swap3A_26 = tpu.vector_load %arg5[%swap3A_25] {strides = array<i32>} : memref<128xf32, #tpu.memory_space<vmem>>, vector<16xf32>,
    %swap3A_27 = vector.shape_cast %swap3A_26 : vector<16xf32> to vector<16xf32>
    %swap3A_28 = vector.shape_cast %broadcast_in_dim3A_24 : vector<16xf32> to vector<16xf32>
    tpu.vector_store %arg5[%swap3A_25], %swap3A_28 {strides = array<i32>} : memref<128xf32, #tpu.memory_space<vmem>>, vector<16xf32>,
    %broadcast_in_dim3A_29 = arith.constant 1.000000e+00 : f32
    %broadcast_in_dim3A_30 = vector.broadcast %broadcast_in_dim3A_29 : f32 to vector<16xf32>
    %swap3A_31 = arith.constant 80 : index
    %swap3A_32 = tpu.vector_load %arg5[%swap3A_31] {strides = array<i32>} : memref<128xf32, #tpu.memory_space<vmem>>, vector<16xf32>,
    %swap3A_33 = vector.shape_cast %swap3A_32 : vector<16xf32> to vector<16xf32>
    %swap3A_34 = vector.shape_cast %broadcast_in_dim3A_30 : vector<16xf32> to vector<16xf32>
    tpu.vector_store %arg5[%swap3A_31], %swap3A_34 {strides = array<i32>} : memref<128xf32, #tpu.memory_space<vmem>>, vector<16xf32>,
    %broadcast_in_dim3A_35 = arith.constant 1.000000e+00 : f32
    %broadcast_in_dim3A_36 = vector.broadcast %broadcast_in_dim3A_35 : f32 to vector<16xf32>
    %swap3A_37 = arith.constant 96 : index
    %swap3A_38 = tpu.vector_load %arg5[%swap3A_37] {strides = array<i32>} : memref<128xf32, #tpu.memory_space<vmem>>, vector<16xf32>,
    %swap3A_39 = vector.shape_cast %swap3A_38 : vector<16xf32> to vector<16xf32>
    %swap3A_40 = vector.shape_cast %broadcast_in_dim3A_36 : vector<16xf32> to vector<16xf32>
    tpu.vector_store %arg5[%swap3A_37], %swap3A_40 {strides = array<i32>} : memref<128xf32, #tpu.memory_space<vmem>>, vector<16xf32>,
    %broadcast_in_dim3A_41 = arith.constant 1.000000e+00 : f32
    %broadcast_in_dim3A_42 = vector.broadcast %broadcast_in_dim3A_41 : f32 to vector<16xf32>
    %swap3A_43 = arith.constant 112 : index
    %swap3A_44 = tpu.vector_load %arg5[%swap3A_43] {strides = array<i32>} : memref<128xf32, #tpu.memory_space<vmem>>, vector<16xf32>,
    %swap3A_45 = vector.shape_cast %swap3A_44 : vector<16xf32> to vector<16xf32>
    %swap3A_46 = vector.shape_cast %broadcast_in_dim3A_42 : vector<16xf32> to vector<16xf32>
    tpu.vector_store %arg5[%swap3A_43], %swap3A_46 {strides = array<i32>} : memref<128xf32, #tpu.memory_space<vmem>>, vector<16xf32>,
    %broadcast_in_dim3A_47 = arith.constant 0.000000e+00 : f32
    %broadcast_in_dim3A_48 = vector.broadcast %broadcast_in_dim3A_47 : f32 to vector<16xf32>
    %swap3A_49 = arith.constant 0 : index
    %swap3A_50 = tpu.vector_load %arg6[%swap3A_49] {strides = array<i32>} : memref<640xf32, #tpu.memory_space<vmem>>, vector<16xf32>,
    %swap3A_51 = vector.shape_cast %swap3A_50 : vector<16xf32> to vector<16xf32>
    %swap3A_52 = vector.shape_cast %broadcast_in_dim3A_48 : vector<16xf32> to vector<16xf32>
    tpu.vector_store %arg6[%swap3A_49], %swap3A_52 {strides = array<i32>} : memref<640xf32, #tpu.memory_space<vmem>>, vector<16xf32>,
    %broadcast_in_dim3A_53 = arith.constant 0.000000e+00 : f32
    %broadcast_in_dim3A_54 = vector.broadcast %broadcast_in_dim3A_53 : f32 to vector<16xf32>
    %swap3A_55 = arith.constant 16 : index
    %swap3A_56 = tpu.vector_load %arg6[%swap3A_55] {strides = array<i32>} : memref<640xf32, #tpu.memory_space<vmem>>, vector<16xf32>,
    %swap3A_57 = vector.shape_cast %swap3A_56 : vector<16xf32> to vector<16xf32>
    %swap3A_58 = vector.shape_cast %broadcast_in_dim3A_54 : vector<16xf32> to vector<16xf32>
    tpu.vector_store %arg6[%swap3A_55], %swap3A_58 {strides = array<i32>} : memref<640xf32, #tpu.memory_space<vmem>>, vector<16xf32>,
    %broadcast_in_dim3A_59 = arith.constant 0.000000e+00 : f32
    %broadcast_in_dim3A_60 = vector.broadcast %broadcast_in_dim3A_59 : f32 to vector<16xf32>
    %swap3A_61 = arith.constant 32 : index
    %swap3A_62 = tpu.vector_load %arg6[%swap3A_61] {strides = array<i32>} : memref<640xf32, #tpu.memory_space<vmem>>, vector<16xf32>,
    %swap3A_63 = vector.shape_cast %swap3A_62 : vector<16xf32> to vector<16xf32>
    %swap3A_64 = vector.shape_cast %broadcast_in_dim3A_60 : vector<16xf32> to vector<16xf32>
    tpu.vector_store %arg6[%swap3A_61], %swap3A_64 {strides = array<i32>} : memref<640xf32, #tpu.memory_space<vmem>>, vector<16xf32>,
    %broadcast_in_dim3A_65 = arith.constant 0.000000e+00 : f32
    %broadcast_in_dim3A_66 = vector.broadcast %broadcast_in_dim3A_65 : f32 to vector<16xf32>
    %swap3A_67 = arith.constant 48 : index
    %swap3A_68 = tpu.vector_load %arg6[%swap3A_67] {strides = array<i32>} : memref<640xf32, #tpu.memory_space<vmem>>, vector<16xf32>,
    %swap3A_69 = vector.shape_cast %swap3A_68 : vector<16xf32> to vector<16xf32>
    %swap3A_70 = vector.shape_cast %broadcast_in_dim3A_66 : vector<16xf32> to vector<16xf32>
    tpu.vector_store %arg6[%swap3A_67], %swap3A_70 {strides = array<i32>} : memref<640xf32, #tpu.memory_space<vmem>>, vector<16xf32>,
    %broadcast_in_dim3A_71 = arith.constant 0.000000e+00 : f32
    %broadcast_in_dim3A_72 = vector.broadcast %broadcast_in_dim3A_71 : f32 to vector<16xf32>
    %swap3A_73 = arith.constant 64 : index
    %swap3A_74 = tpu.vector_load %arg6[%swap3A_73] {strides = array<i32>} : memref<640xf32, #tpu.memory_space<vmem>>, vector<16xf32>,
    %swap3A_75 = vector.shape_cast %swap3A_74 : vector<16xf32> to vector<16xf32>
    %swap3A_76 = vector.shape_cast %broadcast_in_dim3A_72 : vector<16xf32> to vector<16xf32>
    tpu.vector_store %arg6[%swap3A_73], %swap3A_76 {strides = array<i32>} : memref<640xf32, #tpu.memory_space<vmem>>, vector<16xf32>,
    %broadcast_in_dim3A_77 = arith.constant 0.000000e+00 : f32
    %broadcast_in_dim3A_78 = vector.broadcast %broadcast_in_dim3A_77 : f32 to vector<16xf32>
    %swap3A_79 = arith.constant 80 : index
    %swap3A_80 = tpu.vector_load %arg6[%swap3A_79] {strides = array<i32>} : memref<640xf32, #tpu.memory_space<vmem>>, vector<16xf32>,
    %swap3A_81 = vector.shape_cast %swap3A_80 : vector<16xf32> to vector<16xf32>
    %swap3A_82 = vector.shape_cast %broadcast_in_dim3A_78 : vector<16xf32> to vector<16xf32>
    tpu.vector_store %arg6[%swap3A_79], %swap3A_82 {strides = array<i32>} : memref<640xf32, #tpu.memory_space<vmem>>, vector<16xf32>,
    %broadcast_in_dim3A_83 = arith.constant 0.000000e+00 : f32
    %broadcast_in_dim3A_84 = vector.broadcast %broadcast_in_dim3A_83 : f32 to vector<16xf32>
    %swap3A_85 = arith.constant 96 : index
    %swap3A_86 = tpu.vector_load %arg6[%swap3A_85] {strides = array<i32>} : memref<640xf32, #tpu.memory_space<vmem>>, vector<16xf32>,
    %swap3A_87 = vector.shape_cast %swap3A_86 : vector<16xf32> to vector<16xf32>
    %swap3A_88 = vector.shape_cast %broadcast_in_dim3A_84 : vector<16xf32> to vector<16xf32>
    tpu.vector_store %arg6[%swap3A_85], %swap3A_88 {strides = array<i32>} : memref<640xf32, #tpu.memory_space<vmem>>, vector<16xf32>,
    %broadcast_in_dim3A_89 = arith.constant 0.000000e+00 : f32
    %broadcast_in_dim3A_90 = vector.broadcast %broadcast_in_dim3A_89 : f32 to vector<16xf32>
    %swap3A_91 = arith.constant 112 : index
    %swap3A_92 = tpu.vector_load %arg6[%swap3A_91] {strides = array<i32>} : memref<640xf32, #tpu.memory_space<vmem>>, vector<16xf32>,
    %swap3A_93 = vector.shape_cast %swap3A_92 : vector<16xf32> to vector<16xf32>
    %swap3A_94 = vector.shape_cast %broadcast_in_dim3A_90 : vector<16xf32> to vector<16xf32>
    tpu.vector_store %arg6[%swap3A_91], %swap3A_94 {strides = array<i32>} : memref<640xf32, #tpu.memory_space<vmem>>, vector<16xf32>,
    %broadcast_in_dim3A_95 = arith.constant 0.000000e+00 : f32
    %broadcast_in_dim3A_96 = vector.broadcast %broadcast_in_dim3A_95 : f32 to vector<16xf32>
    %swap3A_97 = arith.constant 128 : index
    %swap3A_98 = tpu.vector_load %arg6[%swap3A_97] {strides = array<i32>} : memref<640xf32, #tpu.memory_space<vmem>>, vector<16xf32>,
    %swap3A_99 = vector.shape_cast %swap3A_98 : vector<16xf32> to vector<16xf32>
    %swap3A_100 = vector.shape_cast %broadcast_in_dim3A_96 : vector<16xf32> to vector<16xf32>
    tpu.vector_store %arg6[%swap3A_97], %swap3A_100 {strides = array<i32>} : memref<640xf32, #tpu.memory_space<vmem>>, vector<16xf32>,
    %broadcast_in_dim3A_101 = arith.constant 0.000000e+00 : f32
    %broadcast_in_dim3A_102 = vector.broadcast %broadcast_in_dim3A_101 : f32 to vector<16xf32>
    %swap3A_103 = arith.constant 144 : index
    %swap3A_104 = tpu.vector_load %arg6[%swap3A_103] {strides = array<i32>} : memref<640xf32, #tpu.memory_space<vmem>>, vector<16xf32>,
    %swap3A_105 = vector.shape_cast %swap3A_104 : vector<16xf32> to vector<16xf32>
    %swap3A_106 = vector.shape_cast %broadcast_in_dim3A_102 : vector<16xf32> to vector<16xf32>
    tpu.vector_store %arg6[%swap3A_103], %swap3A_106 {strides = array<i32>} : memref<640xf32, #tpu.memory_space<vmem>>, vector<16xf32>,
    %broadcast_in_dim3A_107 = arith.constant 0.000000e+00 : f32
    %broadcast_in_dim3A_108 = vector.broadcast %broadcast_in_dim3A_107 : f32 to vector<16xf32>
    %swap3A_109 = arith.constant 160 : index
    %swap3A_110 = tpu.vector_load %arg6[%swap3A_109] {strides = array<i32>} : memref<640xf32, #tpu.memory_space<vmem>>, vector<16xf32>,
    %swap3A_111 = vector.shape_cast %swap3A_110 : vector<16xf32> to vector<16xf32>
    %swap3A_112 = vector.shape_cast %broadcast_in_dim3A_108 : vector<16xf32> to vector<16xf32>
    tpu.vector_store %arg6[%swap3A_109], %swap3A_112 {strides = array<i32>} : memref<640xf32, #tpu.memory_space<vmem>>, vector<16xf32>,
    %broadcast_in_dim3A_113 = arith.constant 0.000000e+00 : f32
    %broadcast_in_dim3A_114 = vector.broadcast %broadcast_in_dim3A_113 : f32 to vector<16xf32>
    %swap3A_115 = arith.constant 176 : index
    %swap3A_116 = tpu.vector_load %arg6[%swap3A_115] {strides = array<i32>} : memref<640xf32, #tpu.memory_space<vmem>>, vector<16xf32>,
    %swap3A_117 = vector.shape_cast %swap3A_116 : vector<16xf32> to vector<16xf32>
    %swap3A_118 = vector.shape_cast %broadcast_in_dim3A_114 : vector<16xf32> to vector<16xf32>
    tpu.vector_store %arg6[%swap3A_115], %swap3A_118 {strides = array<i32>} : memref<640xf32, #tpu.memory_space<vmem>>, vector<16xf32>,
    %broadcast_in_dim3A_119 = arith.constant 0.000000e+00 : f32
    %broadcast_in_dim3A_120 = vector.broadcast %broadcast_in_dim3A_119 : f32 to vector<16xf32>
    %swap3A_121 = arith.constant 192 : index
    %swap3A_122 = tpu.vector_load %arg6[%swap3A_121] {strides = array<i32>} : memref<640xf32, #tpu.memory_space<vmem>>, vector<16xf32>,
    %swap3A_123 = vector.shape_cast %swap3A_122 : vector<16xf32> to vector<16xf32>
    %swap3A_124 = vector.shape_cast %broadcast_in_dim3A_120 : vector<16xf32> to vector<16xf32>
    tpu.vector_store %arg6[%swap3A_121], %swap3A_124 {strides = array<i32>} : memref<640xf32, #tpu.memory_space<vmem>>, vector<16xf32>,
    %broadcast_in_dim3A_125 = arith.constant 0.000000e+00 : f32
    %broadcast_in_dim3A_126 = vector.broadcast %broadcast_in_dim3A_125 : f32 to vector<16xf32>
    %swap3A_127 = arith.constant 208 : index
    %swap3A_128 = tpu.vector_load %arg6[%swap3A_127] {strides = array<i32>} : memref<640xf32, #tpu.memory_space<vmem>>, vector<16xf32>,
    %swap3A_129 = vector.shape_cast %swap3A_128 : vector<16xf32> to vector<16xf32>
    %swap3A_130 = vector.shape_cast %broadcast_in_dim3A_126 : vector<16xf32> to vector<16xf32>
    tpu.vector_store %arg6[%swap3A_127], %swap3A_130 {strides = array<i32>} : memref<640xf32, #tpu.memory_space<vmem>>, vector<16xf32>,
    %broadcast_in_dim3A_131 = arith.constant 0.000000e+00 : f32
    %broadcast_in_dim3A_132 = vector.broadcast %broadcast_in_dim3A_131 : f32 to vector<16xf32>
    %swap3A_133 = arith.constant 224 : index
    %swap3A_134 = tpu.vector_load %arg6[%swap3A_133] {strides = array<i32>} : memref<640xf32, #tpu.memory_space<vmem>>, vector<16xf32>,
    %swap3A_135 = vector.shape_cast %swap3A_134 : vector<16xf32> to vector<16xf32>
    %swap3A_136 = vector.shape_cast %broadcast_in_dim3A_132 : vector<16xf32> to vector<16xf32>
    tpu.vector_store %arg6[%swap3A_133], %swap3A_136 {strides = array<i32>} : memref<640xf32, #tpu.memory_space<vmem>>, vector<16xf32>,
    %broadcast_in_dim3A_137 = arith.constant 0.000000e+00 : f32
    %broadcast_in_dim3A_138 = vector.broadcast %broadcast_in_dim3A_137 : f32 to vector<16xf32>
    %swap3A_139 = arith.constant 240 : index
    %swap3A_140 = tpu.vector_load %arg6[%swap3A_139] {strides = array<i32>} : memref<640xf32, #tpu.memory_space<vmem>>, vector<16xf32>,
    %swap3A_141 = vector.shape_cast %swap3A_140 : vector<16xf32> to vector<16xf32>
    %swap3A_142 = vector.shape_cast %broadcast_in_dim3A_138 : vector<16xf32> to vector<16xf32>
    tpu.vector_store %arg6[%swap3A_139], %swap3A_142 {strides = array<i32>} : memref<640xf32, #tpu.memory_space<vmem>>, vector<16xf32>,
    %broadcast_in_dim3A_143 = arith.constant 0.000000e+00 : f32
    %broadcast_in_dim3A_144 = vector.broadcast %broadcast_in_dim3A_143 : f32 to vector<16xf32>
    %swap3A_145 = arith.constant 256 : index
    %swap3A_146 = tpu.vector_load %arg6[%swap3A_145] {strides = array<i32>} : memref<640xf32, #tpu.memory_space<vmem>>, vector<16xf32>,
    %swap3A_147 = vector.shape_cast %swap3A_146 : vector<16xf32> to vector<16xf32>
    %swap3A_148 = vector.shape_cast %broadcast_in_dim3A_144 : vector<16xf32> to vector<16xf32>
    tpu.vector_store %arg6[%swap3A_145], %swap3A_148 {strides = array<i32>} : memref<640xf32, #tpu.memory_space<vmem>>, vector<16xf32>,
    %broadcast_in_dim3A_149 = arith.constant 0.000000e+00 : f32
    %broadcast_in_dim3A_150 = vector.broadcast %broadcast_in_dim3A_149 : f32 to vector<16xf32>
    %swap3A_151 = arith.constant 272 : index
    %swap3A_152 = tpu.vector_load %arg6[%swap3A_151] {strides = array<i32>} : memref<640xf32, #tpu.memory_space<vmem>>, vector<16xf32>,
    %swap3A_153 = vector.shape_cast %swap3A_152 : vector<16xf32> to vector<16xf32>
    %swap3A_154 = vector.shape_cast %broadcast_in_dim3A_150 : vector<16xf32> to vector<16xf32>
    tpu.vector_store %arg6[%swap3A_151], %swap3A_154 {strides = array<i32>} : memref<640xf32, #tpu.memory_space<vmem>>, vector<16xf32>,
    %broadcast_in_dim3A_155 = arith.constant 0.000000e+00 : f32
    %broadcast_in_dim3A_156 = vector.broadcast %broadcast_in_dim3A_155 : f32 to vector<16xf32>
    %swap3A_157 = arith.constant 288 : index
    %swap3A_158 = tpu.vector_load %arg6[%swap3A_157] {strides = array<i32>} : memref<640xf32, #tpu.memory_space<vmem>>, vector<16xf32>,
    %swap3A_159 = vector.shape_cast %swap3A_158 : vector<16xf32> to vector<16xf32>
    %swap3A_160 = vector.shape_cast %broadcast_in_dim3A_156 : vector<16xf32> to vector<16xf32>
    tpu.vector_store %arg6[%swap3A_157], %swap3A_160 {strides = array<i32>} : memref<640xf32, #tpu.memory_space<vmem>>, vector<16xf32>,
    %broadcast_in_dim3A_161 = arith.constant 0.000000e+00 : f32
    %broadcast_in_dim3A_162 = vector.broadcast %broadcast_in_dim3A_161 : f32 to vector<16xf32>
    %swap3A_163 = arith.constant 304 : index
    %swap3A_164 = tpu.vector_load %arg6[%swap3A_163] {strides = array<i32>} : memref<640xf32, #tpu.memory_space<vmem>>, vector<16xf32>,
    %swap3A_165 = vector.shape_cast %swap3A_164 : vector<16xf32> to vector<16xf32>
    %swap3A_166 = vector.shape_cast %broadcast_in_dim3A_162 : vector<16xf32> to vector<16xf32>
    tpu.vector_store %arg6[%swap3A_163], %swap3A_166 {strides = array<i32>} : memref<640xf32, #tpu.memory_space<vmem>>, vector<16xf32>,
    %broadcast_in_dim3A_167 = arith.constant 0.000000e+00 : f32
    %broadcast_in_dim3A_168 = vector.broadcast %broadcast_in_dim3A_167 : f32 to vector<16xf32>
    %swap3A_169 = arith.constant 320 : index
    %swap3A_170 = tpu.vector_load %arg6[%swap3A_169] {strides = array<i32>} : memref<640xf32, #tpu.memory_space<vmem>>, vector<16xf32>,
    %swap3A_171 = vector.shape_cast %swap3A_170 : vector<16xf32> to vector<16xf32>
    %swap3A_172 = vector.shape_cast %broadcast_in_dim3A_168 : vector<16xf32> to vector<16xf32>
    tpu.vector_store %arg6[%swap3A_169], %swap3A_172 {strides = array<i32>} : memref<640xf32, #tpu.memory_space<vmem>>, vector<16xf32>,
    %broadcast_in_dim3A_173 = arith.constant 0.000000e+00 : f32
    %broadcast_in_dim3A_174 = vector.broadcast %broadcast_in_dim3A_173 : f32 to vector<16xf32>
    %swap3A_175 = arith.constant 336 : index
    %swap3A_176 = tpu.vector_load %arg6[%swap3A_175] {strides = array<i32>} : memref<640xf32, #tpu.memory_space<vmem>>, vector<16xf32>,
    %swap3A_177 = vector.shape_cast %swap3A_176 : vector<16xf32> to vector<16xf32>
    %swap3A_178 = vector.shape_cast %broadcast_in_dim3A_174 : vector<16xf32> to vector<16xf32>
    tpu.vector_store %arg6[%swap3A_175], %swap3A_178 {strides = array<i32>} : memref<640xf32, #tpu.memory_space<vmem>>, vector<16xf32>,
    %broadcast_in_dim3A_179 = arith.constant 0.000000e+00 : f32
    %broadcast_in_dim3A_180 = vector.broadcast %broadcast_in_dim3A_179 : f32 to vector<16xf32>
    %swap3A_181 = arith.constant 352 : index
    %swap3A_182 = tpu.vector_load %arg6[%swap3A_181] {strides = array<i32>} : memref<640xf32, #tpu.memory_space<vmem>>, vector<16xf32>,
    %swap3A_183 = vector.shape_cast %swap3A_182 : vector<16xf32> to vector<16xf32>
    %swap3A_184 = vector.shape_cast %broadcast_in_dim3A_180 : vector<16xf32> to vector<16xf32>
    tpu.vector_store %arg6[%swap3A_181], %swap3A_184 {strides = array<i32>} : memref<640xf32, #tpu.memory_space<vmem>>, vector<16xf32>,
    %broadcast_in_dim3A_185 = arith.constant 0.000000e+00 : f32
    %broadcast_in_dim3A_186 = vector.broadcast %broadcast_in_dim3A_185 : f32 to vector<16xf32>
    %swap3A_187 = arith.constant 368 : index
    %swap3A_188 = tpu.vector_load %arg6[%swap3A_187] {strides = array<i32>} : memref<640xf32, #tpu.memory_space<vmem>>, vector<16xf32>,
    %swap3A_189 = vector.shape_cast %swap3A_188 : vector<16xf32> to vector<16xf32>
    %swap3A_190 = vector.shape_cast %broadcast_in_dim3A_186 : vector<16xf32> to vector<16xf32>
    tpu.vector_store %arg6[%swap3A_187], %swap3A_190 {strides = array<i32>} : memref<640xf32, #tpu.memory_space<vmem>>, vector<16xf32>,
    %broadcast_in_dim3A_191 = arith.constant 0.000000e+00 : f32
    %broadcast_in_dim3A_192 = vector.broadcast %broadcast_in_dim3A_191 : f32 to vector<16xf32>
    %swap3A_193 = arith.constant 384 : index
    %swap3A_194 = tpu.vector_load %arg6[%swap3A_193] {strides = array<i32>} : memref<640xf32, #tpu.memory_space<vmem>>, vector<16xf32>,
    %swap3A_195 = vector.shape_cast %swap3A_194 : vector<16xf32> to vector<16xf32>
    %swap3A_196 = vector.shape_cast %broadcast_in_dim3A_192 : vector<16xf32> to vector<16xf32>
    tpu.vector_store %arg6[%swap3A_193], %swap3A_196 {strides = array<i32>} : memref<640xf32, #tpu.memory_space<vmem>>, vector<16xf32>,
    %broadcast_in_dim3A_197 = arith.constant 0.000000e+00 : f32
    %broadcast_in_dim3A_198 = vector.broadcast %broadcast_in_dim3A_197 : f32 to vector<16xf32>
    %swap3A_199 = arith.constant 400 : index
    %swap3A_200 = tpu.vector_load %arg6[%swap3A_199] {strides = array<i32>} : memref<640xf32, #tpu.memory_space<vmem>>, vector<16xf32>,
    %swap3A_201 = vector.shape_cast %swap3A_200 : vector<16xf32> to vector<16xf32>
    %swap3A_202 = vector.shape_cast %broadcast_in_dim3A_198 : vector<16xf32> to vector<16xf32>
    tpu.vector_store %arg6[%swap3A_199], %swap3A_202 {strides = array<i32>} : memref<640xf32, #tpu.memory_space<vmem>>, vector<16xf32>,
    %broadcast_in_dim3A_203 = arith.constant 0.000000e+00 : f32
    %broadcast_in_dim3A_204 = vector.broadcast %broadcast_in_dim3A_203 : f32 to vector<16xf32>
    %swap3A_205 = arith.constant 416 : index
    %swap3A_206 = tpu.vector_load %arg6[%swap3A_205] {strides = array<i32>} : memref<640xf32, #tpu.memory_space<vmem>>, vector<16xf32>,
    %swap3A_207 = vector.shape_cast %swap3A_206 : vector<16xf32> to vector<16xf32>
    %swap3A_208 = vector.shape_cast %broadcast_in_dim3A_204 : vector<16xf32> to vector<16xf32>
    tpu.vector_store %arg6[%swap3A_205], %swap3A_208 {strides = array<i32>} : memref<640xf32, #tpu.memory_space<vmem>>, vector<16xf32>,
    %broadcast_in_dim3A_209 = arith.constant 0.000000e+00 : f32
    %broadcast_in_dim3A_210 = vector.broadcast %broadcast_in_dim3A_209 : f32 to vector<16xf32>
    %swap3A_211 = arith.constant 432 : index
    %swap3A_212 = tpu.vector_load %arg6[%swap3A_211] {strides = array<i32>} : memref<640xf32, #tpu.memory_space<vmem>>, vector<16xf32>,
    %swap3A_213 = vector.shape_cast %swap3A_212 : vector<16xf32> to vector<16xf32>
    %swap3A_214 = vector.shape_cast %broadcast_in_dim3A_210 : vector<16xf32> to vector<16xf32>
    tpu.vector_store %arg6[%swap3A_211], %swap3A_214 {strides = array<i32>} : memref<640xf32, #tpu.memory_space<vmem>>, vector<16xf32>,
    %broadcast_in_dim3A_215 = arith.constant 0.000000e+00 : f32
    %broadcast_in_dim3A_216 = vector.broadcast %broadcast_in_dim3A_215 : f32 to vector<16xf32>
    %swap3A_217 = arith.constant 448 : index
    %swap3A_218 = tpu.vector_load %arg6[%swap3A_217] {strides = array<i32>} : memref<640xf32, #tpu.memory_space<vmem>>, vector<16xf32>,
    %swap3A_219 = vector.shape_cast %swap3A_218 : vector<16xf32> to vector<16xf32>
    %swap3A_220 = vector.shape_cast %broadcast_in_dim3A_216 : vector<16xf32> to vector<16xf32>
    tpu.vector_store %arg6[%swap3A_217], %swap3A_220 {strides = array<i32>} : memref<640xf32, #tpu.memory_space<vmem>>, vector<16xf32>,
    %broadcast_in_dim3A_221 = arith.constant 0.000000e+00 : f32
    %broadcast_in_dim3A_222 = vector.broadcast %broadcast_in_dim3A_221 : f32 to vector<16xf32>
    %swap3A_223 = arith.constant 464 : index
    %swap3A_224 = tpu.vector_load %arg6[%swap3A_223] {strides = array<i32>} : memref<640xf32, #tpu.memory_space<vmem>>, vector<16xf32>,
    %swap3A_225 = vector.shape_cast %swap3A_224 : vector<16xf32> to vector<16xf32>
    %swap3A_226 = vector.shape_cast %broadcast_in_dim3A_222 : vector<16xf32> to vector<16xf32>
    tpu.vector_store %arg6[%swap3A_223], %swap3A_226 {strides = array<i32>} : memref<640xf32, #tpu.memory_space<vmem>>, vector<16xf32>,
    %broadcast_in_dim3A_227 = arith.constant 0.000000e+00 : f32
    %broadcast_in_dim3A_228 = vector.broadcast %broadcast_in_dim3A_227 : f32 to vector<16xf32>
    %swap3A_229 = arith.constant 480 : index
    %swap3A_230 = tpu.vector_load %arg6[%swap3A_229] {strides = array<i32>} : memref<640xf32, #tpu.memory_space<vmem>>, vector<16xf32>,
    %swap3A_231 = vector.shape_cast %swap3A_230 : vector<16xf32> to vector<16xf32>
    %swap3A_232 = vector.shape_cast %broadcast_in_dim3A_228 : vector<16xf32> to vector<16xf32>
    tpu.vector_store %arg6[%swap3A_229], %swap3A_232 {strides = array<i32>} : memref<640xf32, #tpu.memory_space<vmem>>, vector<16xf32>,
    %broadcast_in_dim3A_233 = arith.constant 0.000000e+00 : f32
    %broadcast_in_dim3A_234 = vector.broadcast %broadcast_in_dim3A_233 : f32 to vector<16xf32>
    %swap3A_235 = arith.constant 496 : index
    %swap3A_236 = tpu.vector_load %arg6[%swap3A_235] {strides = array<i32>} : memref<640xf32, #tpu.memory_space<vmem>>, vector<16xf32>,
    %swap3A_237 = vector.shape_cast %swap3A_236 : vector<16xf32> to vector<16xf32>
    %swap3A_238 = vector.shape_cast %broadcast_in_dim3A_234 : vector<16xf32> to vector<16xf32>
    tpu.vector_store %arg6[%swap3A_235], %swap3A_238 {strides = array<i32>} : memref<640xf32, #tpu.memory_space<vmem>>, vector<16xf32>,
    %broadcast_in_dim3A_239 = arith.constant 0.000000e+00 : f32
    %broadcast_in_dim3A_240 = vector.broadcast %broadcast_in_dim3A_239 : f32 to vector<16xf32>
    %swap3A_241 = arith.constant 512 : index
    %swap3A_242 = tpu.vector_load %arg6[%swap3A_241] {strides = array<i32>} : memref<640xf32, #tpu.memory_space<vmem>>, vector<16xf32>,
    %swap3A_243 = vector.shape_cast %swap3A_242 : vector<16xf32> to vector<16xf32>
    %swap3A_244 = vector.shape_cast %broadcast_in_dim3A_240 : vector<16xf32> to vector<16xf32>
    tpu.vector_store %arg6[%swap3A_241], %swap3A_244 {strides = array<i32>} : memref<640xf32, #tpu.memory_space<vmem>>, vector<16xf32>,
    %broadcast_in_dim3A_245 = arith.constant 0.000000e+00 : f32
    %broadcast_in_dim3A_246 = vector.broadcast %broadcast_in_dim3A_245 : f32 to vector<16xf32>
    %swap3A_247 = arith.constant 528 : index
    %swap3A_248 = tpu.vector_load %arg6[%swap3A_247] {strides = array<i32>} : memref<640xf32, #tpu.memory_space<vmem>>, vector<16xf32>,
    %swap3A_249 = vector.shape_cast %swap3A_248 : vector<16xf32> to vector<16xf32>
    %swap3A_250 = vector.shape_cast %broadcast_in_dim3A_246 : vector<16xf32> to vector<16xf32>
    tpu.vector_store %arg6[%swap3A_247], %swap3A_250 {strides = array<i32>} : memref<640xf32, #tpu.memory_space<vmem>>, vector<16xf32>,
    %broadcast_in_dim3A_251 = arith.constant 0.000000e+00 : f32
    %broadcast_in_dim3A_252 = vector.broadcast %broadcast_in_dim3A_251 : f32 to vector<16xf32>
    %swap3A_253 = arith.constant 544 : index
    %swap3A_254 = tpu.vector_load %arg6[%swap3A_253] {strides = array<i32>} : memref<640xf32, #tpu.memory_space<vmem>>, vector<16xf32>,
    %swap3A_255 = vector.shape_cast %swap3A_254 : vector<16xf32> to vector<16xf32>
    %swap3A_256 = vector.shape_cast %broadcast_in_dim3A_252 : vector<16xf32> to vector<16xf32>
    tpu.vector_store %arg6[%swap3A_253], %swap3A_256 {strides = array<i32>} : memref<640xf32, #tpu.memory_space<vmem>>, vector<16xf32>,
    %broadcast_in_dim3A_257 = arith.constant 0.000000e+00 : f32
    %broadcast_in_dim3A_258 = vector.broadcast %broadcast_in_dim3A_257 : f32 to vector<16xf32>
    %swap3A_259 = arith.constant 560 : index
    %swap3A_260 = tpu.vector_load %arg6[%swap3A_259] {strides = array<i32>} : memref<640xf32, #tpu.memory_space<vmem>>, vector<16xf32>,
    %swap3A_261 = vector.shape_cast %swap3A_260 : vector<16xf32> to vector<16xf32>
    %swap3A_262 = vector.shape_cast %broadcast_in_dim3A_258 : vector<16xf32> to vector<16xf32>
    tpu.vector_store %arg6[%swap3A_259], %swap3A_262 {strides = array<i32>} : memref<640xf32, #tpu.memory_space<vmem>>, vector<16xf32>,
    %broadcast_in_dim3A_263 = arith.constant 0.000000e+00 : f32
    %broadcast_in_dim3A_264 = vector.broadcast %broadcast_in_dim3A_263 : f32 to vector<16xf32>
    %swap3A_265 = arith.constant 576 : index
    %swap3A_266 = tpu.vector_load %arg6[%swap3A_265] {strides = array<i32>} : memref<640xf32, #tpu.memory_space<vmem>>, vector<16xf32>,
    %swap3A_267 = vector.shape_cast %swap3A_266 : vector<16xf32> to vector<16xf32>
    %swap3A_268 = vector.shape_cast %broadcast_in_dim3A_264 : vector<16xf32> to vector<16xf32>
    tpu.vector_store %arg6[%swap3A_265], %swap3A_268 {strides = array<i32>} : memref<640xf32, #tpu.memory_space<vmem>>, vector<16xf32>,
    %broadcast_in_dim3A_269 = arith.constant 0.000000e+00 : f32
    %broadcast_in_dim3A_270 = vector.broadcast %broadcast_in_dim3A_269 : f32 to vector<16xf32>
    %swap3A_271 = arith.constant 592 : index
    %swap3A_272 = tpu.vector_load %arg6[%swap3A_271] {strides = array<i32>} : memref<640xf32, #tpu.memory_space<vmem>>, vector<16xf32>,
    %swap3A_273 = vector.shape_cast %swap3A_272 : vector<16xf32> to vector<16xf32>
    %swap3A_274 = vector.shape_cast %broadcast_in_dim3A_270 : vector<16xf32> to vector<16xf32>
    tpu.vector_store %arg6[%swap3A_271], %swap3A_274 {strides = array<i32>} : memref<640xf32, #tpu.memory_space<vmem>>, vector<16xf32>,
    %broadcast_in_dim3A_275 = arith.constant 0.000000e+00 : f32
    %broadcast_in_dim3A_276 = vector.broadcast %broadcast_in_dim3A_275 : f32 to vector<16xf32>
    %swap3A_277 = arith.constant 608 : index
    %swap3A_278 = tpu.vector_load %arg6[%swap3A_277] {strides = array<i32>} : memref<640xf32, #tpu.memory_space<vmem>>, vector<16xf32>,
    %swap3A_279 = vector.shape_cast %swap3A_278 : vector<16xf32> to vector<16xf32>
    %swap3A_280 = vector.shape_cast %broadcast_in_dim3A_276 : vector<16xf32> to vector<16xf32>
    tpu.vector_store %arg6[%swap3A_277], %swap3A_280 {strides = array<i32>} : memref<640xf32, #tpu.memory_space<vmem>>, vector<16xf32>,
    %broadcast_in_dim3A_281 = arith.constant 0.000000e+00 : f32
    %broadcast_in_dim3A_282 = vector.broadcast %broadcast_in_dim3A_281 : f32 to vector<16xf32>
    %swap3A_283 = arith.constant 624 : index
    %swap3A_284 = tpu.vector_load %arg6[%swap3A_283] {strides = array<i32>} : memref<640xf32, #tpu.memory_space<vmem>>, vector<16xf32>,
    %swap3A_285 = vector.shape_cast %swap3A_284 : vector<16xf32> to vector<16xf32>
    %swap3A_286 = vector.shape_cast %broadcast_in_dim3A_282 : vector<16xf32> to vector<16xf32>
    tpu.vector_store %arg6[%swap3A_283], %swap3A_286 {strides = array<i32>} : memref<640xf32, #tpu.memory_space<vmem>>, vector<16xf32>,
    %mul3A_287 = arith.constant 640 : i32
    %mul3A_288 = arith.muli %arg1, %mul3A_287 : i32
    "tpu.region"() ({
      %run_scoped3A = tpu.sem_alloc : memref<!tpu.dma_semaphore, #tpu.memory_space<semaphore_mem>>
      %dma_start3A = tpu.memref_slice %arg7[%mul3A_288] : memref<10240xf32, #tpu.memory_space<vmem_shared>> -> memref<640xf32, #tpu.memory_space<vmem_shared>>
      %dma_start3A_307 = tpu.memref_slice %arg7[%mul3A_288] : memref<10240xf32, #tpu.memory_space<vmem_shared>> -> memref<640xf32, #tpu.memory_space<vmem_shared>>
      tpu.enqueue_dma source(%arg6 : memref<640xf32, #tpu.memory_space<vmem>>) target(%dma_start3A_307 : memref<640xf32, #tpu.memory_space<vmem_shared>>) target_semaphore(%run_scoped3A : memref<!tpu.dma_semaphore, #tpu.memory_space<semaphore_mem>>)
      %dma_wait3A = tpu.memref_slice %arg7[%mul3A_288] : memref<10240xf32, #tpu.memory_space<vmem_shared>> -> memref<640xf32, #tpu.memory_space<vmem_shared>>
      %dma_wait3A_308 = tpu.memref_slice %arg7[%mul3A_288] : memref<10240xf32, #tpu.memory_space<vmem_shared>> -> memref<640xf32, #tpu.memory_space<vmem_shared>>
      tpu.wait_dma2 semaphore(%run_scoped3A : memref<!tpu.dma_semaphore, #tpu.memory_space<semaphore_mem>>) src(%arg6 : memref<640xf32, #tpu.memory_space<vmem>>) dst(%dma_wait3A_308 : memref<640xf32, #tpu.memory_space<vmem_shared>>)
      tpu.yield
    }) : () -> ()
    %mul3A_289 = arith.constant 78 : i32
    %mul3A_290 = arith.muli %add3A, %mul3A_289 : i32
    "tpu.region"() ({
      %run_scoped3A = tpu.sem_alloc : memref<!tpu.dma_semaphore, #tpu.memory_space<semaphore_mem>>
      %dma_start3A = arith.constant 0 : i32
      %dma_start3A_307 = arith.constant 0 : i32
      %dma_start3A_308 = arith.constant 0 : i32
      %dma_start3A_309 = tpu.memref_slice %arg4[%dma_start3A, %dma_start3A_307, %dma_start3A_308] : memref<82x2x128xi32, #tpu.memory_space<vmem>> -> memref<78x2x128xi32, #tpu.memory_space<vmem>>
      %dma_start3A_310 = arith.constant 0 : i32
      %dma_start3A_311 = arith.constant 0 : i32
      %dma_start3A_312 = tpu.memref_slice %arg2[%mul3A_290, %dma_start3A_310, %dma_start3A_311] : memref<2500x2x128xi32, #tpu.memory_space<hbm>> -> memref<78x2x128xi32, #tpu.memory_space<hbm>>
      %dma_start3A_313 = arith.constant 0 : i32
      %dma_start3A_314 = arith.constant 0 : i32
      %dma_start3A_315 = arith.constant 0 : i32
      %dma_start3A_316 = tpu.memref_slice %arg4[%dma_start3A_313, %dma_start3A_314, %dma_start3A_315] : memref<82x2x128xi32, #tpu.memory_space<vmem>> -> memref<78x2x128xi32, #tpu.memory_space<vmem>>
      %dma_start3A_317 = arith.constant 0 : i32
      %dma_start3A_318 = arith.constant 0 : i32
      %dma_start3A_319 = tpu.memref_slice %arg2[%mul3A_290, %dma_start3A_317, %dma_start3A_318] : memref<2500x2x128xi32, #tpu.memory_space<hbm>> -> memref<78x2x128xi32, #tpu.memory_space<hbm>>
      tpu.enqueue_dma source(%dma_start3A_319 : memref<78x2x128xi32, #tpu.memory_space<hbm>>) target(%dma_start3A_316 : memref<78x2x128xi32, #tpu.memory_space<vmem>>) target_semaphore(%run_scoped3A : memref<!tpu.dma_semaphore, #tpu.memory_space<semaphore_mem>>)
      %dma_wait3A = arith.constant 0 : i32
      %dma_wait3A_320 = arith.constant 0 : i32
      %dma_wait3A_321 = arith.constant 0 : i32
      %dma_wait3A_322 = tpu.memref_slice %arg4[%dma_wait3A, %dma_wait3A_320, %dma_wait3A_321] : memref<82x2x128xi32, #tpu.memory_space<vmem>> -> memref<78x2x128xi32, #tpu.memory_space<vmem>>
      %dma_wait3A_323 = arith.constant 0 : i32
      %dma_wait3A_324 = arith.constant 0 : i32
      %dma_wait3A_325 = tpu.memref_slice %arg2[%mul3A_290, %dma_wait3A_323, %dma_wait3A_324] : memref<2500x2x128xi32, #tpu.memory_space<hbm>> -> memref<78x2x128xi32, #tpu.memory_space<hbm>>
      %dma_wait3A_326 = arith.constant 0 : i32
      %dma_wait3A_327 = arith.constant 0 : i32
      %dma_wait3A_328 = arith.constant 0 : i32
      %dma_wait3A_329 = tpu.memref_slice %arg4[%dma_wait3A_326, %dma_wait3A_327, %dma_wait3A_328] : memref<82x2x128xi32, #tpu.memory_space<vmem>> -> memref<78x2x128xi32, #tpu.memory_space<vmem>>
      %dma_wait3A_330 = arith.constant 0 : i32
      %dma_wait3A_331 = arith.constant 0 : i32
      %dma_wait3A_332 = tpu.memref_slice %arg2[%mul3A_290, %dma_wait3A_330, %dma_wait3A_331] : memref<2500x2x128xi32, #tpu.memory_space<hbm>> -> memref<78x2x128xi32, #tpu.memory_space<hbm>>
      tpu.wait_dma2 semaphore(%run_scoped3A : memref<!tpu.dma_semaphore, #tpu.memory_space<semaphore_mem>>) src(%dma_wait3A_332 : memref<78x2x128xi32, #tpu.memory_space<hbm>>) dst(%dma_wait3A_329 : memref<78x2x128xi32, #tpu.memory_space<vmem>>)
      tpu.yield
    }) : () -> ()
    "tpu.region"() ({
      %run_scoped3A = tpu.sem_alloc : memref<!tpu.dma_semaphore, #tpu.memory_space<semaphore_mem>>
      %dma_start3A = arith.constant 78 : i32
      %dma_start3A_307 = arith.constant 0 : i32
      %dma_start3A_308 = arith.constant 0 : i32
      %dma_start3A_309 = tpu.memref_slice %arg4[%dma_start3A, %dma_start3A_307, %dma_start3A_308] : memref<82x2x128xi32, #tpu.memory_space<vmem>> -> memref<4x2x128xi32, #tpu.memory_space<vmem>>
      %dma_start3A_310 = arith.constant 2496 : i32
      %dma_start3A_311 = arith.constant 0 : i32
      %dma_start3A_312 = arith.constant 0 : i32
      %dma_start3A_313 = tpu.memref_slice %arg2[%dma_start3A_310, %dma_start3A_311, %dma_start3A_312] : memref<2500x2x128xi32, #tpu.memory_space<hbm>> -> memref<4x2x128xi32, #tpu.memory_space<hbm>>
      %dma_start3A_314 = arith.constant 78 : i32
      %dma_start3A_315 = arith.constant 0 : i32
      %dma_start3A_316 = arith.constant 0 : i32
      %dma_start3A_317 = tpu.memref_slice %arg4[%dma_start3A_314, %dma_start3A_315, %dma_start3A_316] : memref<82x2x128xi32, #tpu.memory_space<vmem>> -> memref<4x2x128xi32, #tpu.memory_space<vmem>>
      %dma_start3A_318 = arith.constant 2496 : i32
      %dma_start3A_319 = arith.constant 0 : i32
      %dma_start3A_320 = arith.constant 0 : i32
      %dma_start3A_321 = tpu.memref_slice %arg2[%dma_start3A_318, %dma_start3A_319, %dma_start3A_320] : memref<2500x2x128xi32, #tpu.memory_space<hbm>> -> memref<4x2x128xi32, #tpu.memory_space<hbm>>
      tpu.enqueue_dma source(%dma_start3A_321 : memref<4x2x128xi32, #tpu.memory_space<hbm>>) target(%dma_start3A_317 : memref<4x2x128xi32, #tpu.memory_space<vmem>>) target_semaphore(%run_scoped3A : memref<!tpu.dma_semaphore, #tpu.memory_space<semaphore_mem>>)
      %dma_wait3A = arith.constant 78 : i32
      %dma_wait3A_322 = arith.constant 0 : i32
      %dma_wait3A_323 = arith.constant 0 : i32
      %dma_wait3A_324 = tpu.memref_slice %arg4[%dma_wait3A, %dma_wait3A_322, %dma_wait3A_323] : memref<82x2x128xi32, #tpu.memory_space<vmem>> -> memref<4x2x128xi32, #tpu.memory_space<vmem>>
      %dma_wait3A_325 = arith.constant 2496 : i32
      %dma_wait3A_326 = arith.constant 0 : i32
      %dma_wait3A_327 = arith.constant 0 : i32
      %dma_wait3A_328 = tpu.memref_slice %arg2[%dma_wait3A_325, %dma_wait3A_326, %dma_wait3A_327] : memref<2500x2x128xi32, #tpu.memory_space<hbm>> -> memref<4x2x128xi32, #tpu.memory_space<hbm>>
      %dma_wait3A_329 = arith.constant 78 : i32
      %dma_wait3A_330 = arith.constant 0 : i32
      %dma_wait3A_331 = arith.constant 0 : i32
      %dma_wait3A_332 = tpu.memref_slice %arg4[%dma_wait3A_329, %dma_wait3A_330, %dma_wait3A_331] : memref<82x2x128xi32, #tpu.memory_space<vmem>> -> memref<4x2x128xi32, #tpu.memory_space<vmem>>
      %dma_wait3A_333 = arith.constant 2496 : i32
      %dma_wait3A_334 = arith.constant 0 : i32
      %dma_wait3A_335 = arith.constant 0 : i32
      %dma_wait3A_336 = tpu.memref_slice %arg2[%dma_wait3A_333, %dma_wait3A_334, %dma_wait3A_335] : memref<2500x2x128xi32, #tpu.memory_space<hbm>> -> memref<4x2x128xi32, #tpu.memory_space<hbm>>
      tpu.wait_dma2 semaphore(%run_scoped3A : memref<!tpu.dma_semaphore, #tpu.memory_space<semaphore_mem>>) src(%dma_wait3A_336 : memref<4x2x128xi32, #tpu.memory_space<hbm>>) dst(%dma_wait3A_332 : memref<4x2x128xi32, #tpu.memory_space<vmem>>)
      tpu.yield
    }) : () -> ()
    %barrier3A = arith.constant 0 : index
    tpu.barrier barrier_id(%barrier3A)
    %scan3A = arith.constant 0 : i32
    %scan3A_291 = arith.constant 0 : i32
    %scan3A_292 = arith.constant 82 : i32
    %scan3A_293 = arith.addi %scan3A_291, %scan3A_292 : i32
    %scan3A_294 = arith.constant 1 : i32
    scf.for %scan3A_307 = %scan3A_291 to %scan3A_293 step %scan3A_294  : i32 {
      %dma_start3A = arith.constant 1 : i32
      %dma_start3A_308 = arith.constant 0 : i32
      %dma_start3A_309 = tpu.memref_slice %arg4[%scan3A_307, %dma_start3A, %dma_start3A_308] : memref<82x2x128xi32, #tpu.memory_space<vmem>> -> memref<1x1x128xi32, #tpu.memory_space<vmem>>
      %dma_start3A_310 = tpu.memref_squeeze %dma_start3A_309 : memref<1x1x128xi32, #tpu.memory_space<vmem>> -> memref<128xi32, #tpu.memory_space<vmem>>
      %dma_start3A_311 = arith.constant 0 : i32
      %dma_start3A_312 = tpu.memref_slice %arg7[%dma_start3A_311] : memref<10240xf32, #tpu.memory_space<vmem_shared>> -> memref<10240xf32, #tpu.memory_space<vmem_shared>>
      tpu.enqueue_indirect_dma source(%arg5 : memref<128xf32, #tpu.memory_space<vmem>>) target(%dma_start3A_312 : memref<10240xf32, #tpu.memory_space<vmem_shared>>) offsets(%dma_start3A_310 : memref<128xi32, #tpu.memory_space<vmem>>) semaphore(%arg8 : memref<!tpu.dma_semaphore, #tpu.memory_space<semaphore_mem>>) {add = true}
    }
    %scan3A_295 = arith.constant 82 : i32
    %scan3A_296 = arith.constant 0 : i32
    %scan3A_297 = arith.constant 0 : i32
    %scan3A_298 = arith.constant 82 : i32
    %scan3A_299 = arith.addi %scan3A_297, %scan3A_298 : i32
    %scan3A_300 = arith.constant 1 : i32
    scf.for %scan3A_307 = %scan3A_297 to %scan3A_299 step %scan3A_300  : i32 {
      %dma_wait3A = arith.constant 0 : i32
      %dma_wait3A_308 = arith.constant 1 : i32
      %dma_wait3A_309 = arith.constant 0 : i32
      %dma_wait3A_310 = tpu.memref_slice %arg4[%dma_wait3A, %dma_wait3A_308, %dma_wait3A_309] : memref<82x2x128xi32, #tpu.memory_space<vmem>> -> memref<1x1x128xi32, #tpu.memory_space<vmem>>
      %dma_wait3A_311 = tpu.memref_squeeze %dma_wait3A_310 : memref<1x1x128xi32, #tpu.memory_space<vmem>> -> memref<128xi32, #tpu.memory_space<vmem>>
      %dma_wait3A_312 = arith.constant 0 : i32
      %dma_wait3A_313 = tpu.memref_slice %arg7[%dma_wait3A_312] : memref<10240xf32, #tpu.memory_space<vmem_shared>> -> memref<10240xf32, #tpu.memory_space<vmem_shared>>
      tpu.wait_indirect_dma semaphore(%arg8 : memref<!tpu.dma_semaphore, #tpu.memory_space<semaphore_mem>>) src(%arg5 : memref<128xf32, #tpu.memory_space<vmem>>) dst(%dma_wait3A_313 : memref<10240xf32, #tpu.memory_space<vmem_shared>>)
    }
    %scan3A_301 = arith.constant 82 : i32
    %barrier3A_302 = arith.constant 0 : index
    tpu.barrier barrier_id(%barrier3A_302)
    %mul3A_303 = arith.constant 640 : i32
    %mul3A_304 = arith.muli %arg1, %mul3A_303 : i32
    %mul3A_305 = arith.constant 640 : i32
    %mul3A_306 = arith.muli %arg1, %mul3A_305 : i32
    "tpu.region"() ({
      %run_scoped3A = tpu.sem_alloc : memref<!tpu.dma_semaphore, #tpu.memory_space<semaphore_mem>>
      %dma_start3A = tpu.memref_slice %arg3[%arg0, %mul3A_306] : memref<2x10240xf32, #tpu.memory_space<hbm>> -> memref<1x640xf32, #tpu.memory_space<hbm>>
      %dma_start3A_307 = tpu.memref_squeeze %dma_start3A : memref<1x640xf32, #tpu.memory_space<hbm>> -> memref<640xf32, #tpu.memory_space<hbm>>
      %dma_start3A_308 = tpu.memref_slice %arg7[%mul3A_304] : memref<10240xf32, #tpu.memory_space<vmem_shared>> -> memref<640xf32, #tpu.memory_space<vmem_shared>>
      tpu.enqueue_dma source(%dma_start3A_308 : memref<640xf32, #tpu.memory_space<vmem_shared>>) target(%dma_start3A_307 : memref<640xf32, #tpu.memory_space<hbm>>) target_semaphore(%run_scoped3A : memref<!tpu.dma_semaphore, #tpu.memory_space<semaphore_mem>>)
      %dma_wait3A = tpu.memref_slice %arg3[%arg0, %mul3A_306] : memref<2x10240xf32, #tpu.memory_space<hbm>> -> memref<1x640xf32, #tpu.memory_space<hbm>>
      %dma_wait3A_309 = tpu.memref_squeeze %dma_wait3A : memref<1x640xf32, #tpu.memory_space<hbm>> -> memref<640xf32, #tpu.memory_space<hbm>>
      %dma_wait3A_310 = tpu.memref_slice %arg7[%mul3A_304] : memref<10240xf32, #tpu.memory_space<vmem_shared>> -> memref<640xf32, #tpu.memory_space<vmem_shared>>
      tpu.wait_dma2 semaphore(%run_scoped3A : memref<!tpu.dma_semaphore, #tpu.memory_space<semaphore_mem>>) src(%dma_wait3A_310 : memref<640xf32, #tpu.memory_space<vmem_shared>>) dst(%dma_wait3A_309 : memref<640xf32, #tpu.memory_space<hbm>>)
      tpu.yield
    }) : () -> ()
    return
  }
}

module attributes {stable_mosaic.version = 14 : i64} {
  func.func @_tc_mm_body(%arg0: i32, %arg1: memref<10000x128xf32, #tpu.memory_space<vmem>>, %arg2: memref<128x128xf32, #tpu.memory_space<vmem>>, %arg3: memref<1x128xf32, #tpu.memory_space<vmem>>, %arg4: memref<10000x128xf32, #tpu.memory_space<vmem>>) attributes {dimension_semantics = [#tpu.dimension_semantics<arbitrary>], iteration_bounds = array<i64: 1>, scalar_prefetch = 0 : i64, scratch_operands = 0 : i64, tpu.core_type = #tpu.core_type<tc>, window_params = [{transform_indices = @transform_0, window_bounds = array<i64: 10000, 128>}, {pipeline_mode = #tpu.pipeline_mode<synchronous>, transform_indices = @transform_1, window_bounds = array<i64: 128, 128>}, {pipeline_mode = #tpu.pipeline_mode<synchronous>, transform_indices = @transform_2, window_bounds = array<i64: 1, 128>}, {transform_indices = @transform_3, window_bounds = array<i64: 10000, 128>}]} {
    %get3A = arith.constant 0 : index
    %get3A_0 = arith.constant 0 : index
    %get3A_1 = vector.load %arg1[%get3A, %get3A_0] : memref<10000x128xf32, #tpu.memory_space<vmem>>, vector<10000x128xf32>
    %get3A_2 = arith.constant 0 : index
    %get3A_3 = arith.constant 0 : index
    %get3A_4 = vector.load %arg2[%get3A_2, %get3A_3] : memref<128x128xf32, #tpu.memory_space<vmem>>, vector<128x128xf32>
    %dot_general3A = arith.constant dense<0.000000e+00> : vector<10000x128xf32>
    %dot_general3A_5 = tpu.matmul %get3A_1, %get3A_4, %dot_general3A {dimension_numbers = #tpu.dot_dimension_numbers<[1], [0], [0], [1], [0, 0, 1, 1], [], []>, transpose_lhs_hint = false} : vector<10000x128xf32>, vector<128x128xf32>, vector<10000x128xf32> -> vector<10000x128xf32>
    %get3A_6 = arith.constant 0 : index
    %get3A_7 = arith.constant 0 : index
    %get3A_8 = vector.load %arg3[%get3A_6, %get3A_7] : memref<1x128xf32, #tpu.memory_space<vmem>>, vector<1x128xf32>
    %add3A = vector.broadcast %get3A_8 : vector<1x128xf32> to vector<10000x128xf32>
    %add3A_9 = arith.addf %dot_general3A_5, %add3A : vector<10000x128xf32>
    %swap3A = arith.constant 0 : index
    %swap3A_10 = arith.constant 0 : index
    %swap3A_11 = vector.load %arg4[%swap3A, %swap3A_10] : memref<10000x128xf32, #tpu.memory_space<vmem>>, vector<10000x128xf32>
    tpu.vector_store %arg4[%swap3A, %swap3A_10], %add3A_9 {strides = array<i32>} : memref<10000x128xf32, #tpu.memory_space<vmem>>, vector<10000x128xf32>,
    return
  }
  func.func @transform_0(%arg0: i32) -> (i32, i32) {
    %c0_i32 = arith.constant 0 : i32
    %c0_i32_0 = arith.constant 0 : i32
    return %arg0, %c0_i32 : i32, i32
  }
  func.func @transform_1(%arg0: i32) -> (i32, i32) {
    %c0_i32 = arith.constant 0 : i32
    %c0_i32_0 = arith.constant 0 : i32
    %c0_i32_1 = arith.constant 0 : i32
    return %c0_i32, %c0_i32_0 : i32, i32
  }
  func.func @transform_2(%arg0: i32) -> (i32, i32) {
    %c0_i32 = arith.constant 0 : i32
    %c0_i32_0 = arith.constant 0 : i32
    %c0_i32_1 = arith.constant 0 : i32
    return %c0_i32, %c0_i32_0 : i32, i32
  }
  func.func @transform_3(%arg0: i32) -> (i32, i32) {
    %c0_i32 = arith.constant 0 : i32
    %c0_i32_0 = arith.constant 0 : i32
    return %arg0, %c0_i32 : i32, i32
  }
}

module attributes {stable_mosaic.version = 14 : i64} {
  func.func @_tc_mask_body(%arg0: i32, %arg1: memref<10000x128xf32, #tpu.memory_space<vmem>>, %arg2: memref<10000x1xbf16, #tpu.memory_space<vmem>>, %arg3: memref<10000x128xf32, #tpu.memory_space<vmem>>) attributes {dimension_semantics = [#tpu.dimension_semantics<arbitrary>], iteration_bounds = array<i64: 1>, scalar_prefetch = 0 : i64, scratch_operands = 0 : i64, tpu.core_type = #tpu.core_type<tc>, window_params = [{transform_indices = @transform_0, window_bounds = array<i64: 10000, 128>}, {transform_indices = @transform_1, window_bounds = array<i64: 10000, 1>}, {transform_indices = @transform_2, window_bounds = array<i64: 10000, 128>}]} {
    %get3A = arith.constant 0 : index
    %get3A_0 = arith.constant 0 : index
    %get3A_1 = vector.load %arg2[%get3A, %get3A_0] : memref<10000x1xbf16, #tpu.memory_space<vmem>>, vector<10000x1xbf16>
    %gt3A = arith.constant 0.000000e+00 : bf16
    %gt3A_2 = vector.broadcast %gt3A : bf16 to vector<10000x1xbf16>
    %gt3A_3 = arith.cmpf ogt, %get3A_1, %gt3A_2 : vector<10000x1xbf16>
    %get3A_4 = arith.constant 0 : index
    %get3A_5 = arith.constant 0 : index
    %get3A_6 = vector.load %arg1[%get3A_4, %get3A_5] : memref<10000x128xf32, #tpu.memory_space<vmem>>, vector<10000x128xf32>
    %jit3A = arith.constant 0.000000e+00 : f32
    %broadcast_in_dim3A = vector.shape_cast %gt3A_3 : vector<10000x1xi1> to vector<10000x1xi1>
    %broadcast_in_dim3A_7 = vector.broadcast %broadcast_in_dim3A : vector<10000x1xi1> to vector<10000x128xi1>
    %broadcast_in_dim3A_8 = vector.broadcast %jit3A : f32 to vector<10000x128xf32>
    %select_n3A = arith.select %broadcast_in_dim3A_7, %get3A_6, %broadcast_in_dim3A_8 : vector<10000x128xi1>, vector<10000x128xf32>
    %swap3A = arith.constant 0 : index
    %swap3A_9 = arith.constant 0 : index
    %swap3A_10 = vector.load %arg3[%swap3A, %swap3A_9] : memref<10000x128xf32, #tpu.memory_space<vmem>>, vector<10000x128xf32>
    tpu.vector_store %arg3[%swap3A, %swap3A_9], %select_n3A {strides = array<i32>} : memref<10000x128xf32, #tpu.memory_space<vmem>>, vector<10000x128xf32>,
    return
  }
  func.func @transform_0(%arg0: i32) -> (i32, i32) {
    %c0_i32 = arith.constant 0 : i32
    %c0_i32_0 = arith.constant 0 : i32
    return %arg0, %c0_i32 : i32, i32
  }
  func.func @transform_1(%arg0: i32) -> (i32, i32) {
    %c0_i32 = arith.constant 0 : i32
    %c0_i32_0 = arith.constant 0 : i32
    return %arg0, %c0_i32 : i32, i32
  }
  func.func @transform_2(%arg0: i32) -> (i32, i32) {
    %c0_i32 = arith.constant 0 : i32
    %c0_i32_0 = arith.constant 0 : i32
    return %arg0, %c0_i32 : i32, i32
  }
}

</mosaic_0001>

<sc_bundles>
// kernel: kernel.5.cloned.1.call-start
scs
__scs_entry_jumppad:
0x0: {  	(pc) =	sbr.rel $0x88, $3  }
0x1: {  	(tag) =	ssettag $0x0;
	lr =	simm.s32 $0x1  }
0x2: {  	[smem:$0x3F9D] =	sst lr;
	_ =	strace $0xD0000000  }
0x3: {  	_ = 	snop  }
0x4: {  	_ = 	snop  }
0x5: {  	_ = 	snop  }
0x6: {  	_ = 	snop  }
0x7: {  	_ = 	snop  }
__scs_overlays_trampoline_lowered:
0x8: {  	[smem:$0x3FAC] =	sst s0  }
0x9: {  	[smem:$0x3FAD] =	sst s1  }
0xa: {  	[smem:$0x3FAE] =	sst s2  }
0xb: {  	[smem:$0x3FAF] =	sst s3  }
0xc: {  	[smem:$0x3FB0] =	sst s4  }
0xd: {  	[smem:$0x3FB1] =	sst s5  }
0xe: {  	[smem:$0x3FB2] =	sst s6  }
0xf: {  	[smem:$0x3FB3] =	sst s7  }
0x10: {  	[smem:$0x3FB4] =	sst s8  }
0x11: {  	[smem:$0x3FB5] =	sst s9;
	s0 =	simm.s32 @!p0 $0x0  }
0x12: {  	s1 =	sld [smem:$0x3F9B];
	s0 =	simm.s32 @p0 $0x1  }
0x13: {  	[smem:$0x3FB6] =	sst s0;
	s0 =	simm.s32 @!p1 $0x0  }
0x14: {  	s2 =	sld [smem:$0x3F9A];
	s0 =	simm.s32 @p1 $0x1  }
0x15: {  	[smem:$0x3FB7] =	sst s0;
	s0 =	simm.s32 @!p2 $0x0  }
0x16: {  	s3 =	sld [smem:$0x3FDB];
	s0 =	simm.s32 @p2 $0x1  }
0x17: {  	s4 =	simm.s32 $0x1BF5;
	[smem:$0x3FB9] =	sst s0  }
0x18: {  	s0 =	sld [smem:$0x3F9C];
	_ =	swait.ge [sflag:s4], $0x0  }
0x19: {  	s7 =	sld [smem:$0x3F9D]  }
0x1a: {  	s8 =	sadd.s32 $0xFFFFE003, lr  }
0x1b: {  	s9 =	sadd.s32 $0xFFFFFEF7, lr;
	s5 =	simm.s32 $0xFFFFFFFF;
	p2 =	slt.u32 s8, $0xFFFFF086  }
0x1c: {  	p1 =	slt.u32 s9, $0xF7A;
	s5 =	simm.s32 @!p2 $0x0  }
0x1d: {  	s5 =	simm.s32 @p1 $0x1;
	p0 =	seq.s32 s7, s2  }
0x1e: {  	s7 =	smul.u32 @!p0 $0xF7A, s2;
	p2 =	seq.s32 @!p0 s5, $0x0  }
0x1f: {  	s9 =	smul.u32 $0xF7A, s1;
	s8 =	simm.s32 @!p0 $0x1BF5;
	p2 =	por !p2, p0  }
0x20: {  	[sflag:s8] =	ssyncset.s32 @!p0 $0xFFFFF086;
	s6 =	sadd.s32 @!p0 s3, s7;
	s7 =	simm.s32 @!p0 $0x108  }
0x21: {  	s3 =	sadd.s32 s3, s9;
	s6 =	sadd.s32 @!p0 $0x88, s6;
	s7 =	simm.s32 @p2 $0x1082  }
0x22: {  	[simem:s7], [sflag:s8] =	dma.local @!p0 [hbm:s6], $0xF7A  }
0x23: {  	s9 =	sor.u32 $0xD0000000, s2;
	s6 =	simm.s32 $0x108;
	_ =	swait.ge @!p0 [sflag:s8], $0x0  }
0x24: {  	s3 =	sadd.s32 $0x88, s3;
	s6 =	simm.s32 @!p1 $0x1082;
	[sflag:s4] =	ssyncset.s32 $0xFFFFF086  }
0x25: {  	[simem:s6], [sflag:s4] =	dma.local [hbm:s3], $0xF7A  }
0x26: {  	[smem:$0x3F9D] =	sst s1;
	(tag) =	ssettag s2;
	_ =	strace s9  }
0x27: {  	s1 =	sld [smem:$0x3FAD]  }
0x28: {  	s2 =	sld [smem:$0x3FAE]  }
0x29: {  	s4 =	sld [smem:$0x3FB0]  }
0x2a: {  	p0 =	seq.s32 s5, $0x0;
	s5 =	sld [smem:$0x3FB1]  }
0x2b: {  	s6 =	sld [smem:$0x3FB2]  }
0x2c: {  	s7 =	sld [smem:$0x3FB3]  }
0x2d: {  	s3 =	simm.s32 $0x108;
	s8 =	sld [smem:$0x3FB4]  }
0x2e: {  	s3 =	simm.s32 @!p0 $0x1082;
	s9 =	sld [smem:$0x3FB5]  }
0x2f: {  	lr =	sadd.s32 s0, s3;
	s0 =	sld [smem:$0x3FAC]  }
0x30: {  	s3 =	sld [smem:$0x3FAF]  }
0x31: {  	[smem:$0x3FB8] =	sst s10  }
0x32: {  	s10 =	sld [smem:$0x3FB6];
	_ =	sdelay $0x3  }
0x33: {  	p0 =	seq.s32 s10, $0x1;
	s10 =	sld [smem:$0x3FB8];
	_ =	sdelay $0x3  }
0x34: {  	[smem:$0x3FB8] =	sst s10  }
0x35: {  	s10 =	sld [smem:$0x3FB7];
	_ =	sdelay $0x3  }
0x36: {  	p1 =	seq.s32 s10, $0x1;
	s10 =	sld [smem:$0x3FB8];
	_ =	sdelay $0x3  }
0x37: {  	[smem:$0x3FB8] =	sst s10  }
0x38: {  	s10 =	sld [smem:$0x3FB9]  }
0x39: {  	_ = 	snop;
	(pc) =	sbr.ind lr, $3  }
0x3a: {  	_ = 	snop  }
0x3b: {  	_ = 	snop  }
0x3c: {  	p2 =	seq.s32 s10, $0x1;
	s10 =	sld [smem:$0x3FB8]  }
0x3d: {  	_ =	shalt  }
0x3e: {  	_ =	shalt  }
0x3f: {  	_ =	shalt  }
0x40: {  	_ =	shalt  }
0x41: {  	_ =	shalt  }
0x42: {  	_ =	shalt  }
0x43: {  	_ =	shalt  }
0x44: {  	_ =	shalt  }
0x45: {  	_ =	shalt  }
0x46: {  	_ =	shalt  }
0x47: {  	_ =	shalt  }
0x48: {  	_ =	shalt  }
0x49: {  	_ =	shalt  }
0x4a: {  	_ =	shalt  }
0x4b: {  	_ =	shalt  }
0x4c: {  	_ =	shalt  }
0x4d: {  	_ =	shalt  }
0x4e: {  	_ =	shalt  }
0x4f: {  	_ =	shalt  }
0x50: {  	_ =	shalt  }
0x51: {  	_ =	shalt  }
0x52: {  	_ =	shalt  }
0x53: {  	_ =	shalt  }
0x54: {  	_ =	shalt  }
0x55: {  	_ =	shalt  }
0x56: {  	_ =	shalt  }
0x57: {  	_ =	shalt  }
0x58: {  	_ =	shalt  }
0x59: {  	_ =	shalt  }
0x5a: {  	_ =	shalt  }
0x5b: {  	_ =	shalt  }
0x5c: {  	_ =	shalt  }
0x5d: {  	_ =	shalt  }
0x5e: {  	_ =	shalt  }
0x5f: {  	_ =	shalt  }
0x60: {  	_ =	shalt  }
0x61: {  	_ =	shalt  }
0x62: {  	_ =	shalt  }
0x63: {  	_ =	shalt  }
0x64: {  	_ =	shalt  }
0x65: {  	_ =	shalt  }
0x66: {  	_ =	shalt  }
0x67: {  	_ =	shalt  }
0x68: {  	_ =	shalt  }
0x69: {  	_ =	shalt  }
0x6a: {  	_ =	shalt  }
0x6b: {  	_ =	shalt  }
0x6c: {  	_ =	shalt  }
0x6d: {  	_ =	shalt  }
0x6e: {  	_ =	shalt  }
0x6f: {  	_ =	shalt  }
0x70: {  	_ =	shalt  }
0x71: {  	_ =	shalt  }
0x72: {  	_ =	shalt  }
0x73: {  	_ =	shalt  }
0x74: {  	_ =	shalt  }
0x75: {  	_ =	shalt  }
0x76: {  	_ =	shalt  }
0x77: {  	_ =	shalt  }
0x78: {  	_ =	shalt  }
0x79: {  	_ =	shalt  }
0x7a: {  	_ =	shalt  }
0x7b: {  	_ =	shalt  }
0x7c: {  	_ =	shalt  }
0x7d: {  	_ =	shalt  }
0x7e: {  	_ =	shalt  }
0x7f: {  	_ =	shalt  }
0x80: {  	_ =	shalt  }
0x81: {  	_ =	shalt  }
0x82: {  	_ =	shalt  }
0x83: {  	_ =	shalt  }
0x84: {  	_ =	shalt  }
0x85: {  	_ =	shalt  }
0x86: {  	_ =	shalt  }
0x87: {  	_ =	shalt  }
.Lfunc_end0:
.L_simem_size_0:
called_computation_lowered:
.L_overlay_start_0:
0x88: {  	s2 =	sld [smem:$0x3FD9]  }
0x89: {  	s3 =	sld [smem:$0x3FFE];
	_ =	sdelay $0x1  }
0x8a: {  	s1 =	srdreg.scid  }
0x8b: {  	s0 =	sand.u32 $0x1, s1  }
0x8c: {  	s18 =	sshll.u32 s0, $0xA;
	s2 =	sadd.s32 s3, s2  }
0x8d: {  	s2 =	sadd.s32 s2, s18  }
0x8e: {  	[smem:$0x3FC4] =	sst s2  }
0x8f: {  	_ = 	snop  }
0x90: {  	s2 =	sld [smem:$0x3FC8]  }
0x91: {  	s19 =	sld [smem:$0x3FD0];
	(tm) =	ssettm $0x1  }
0x92: {  	s4 =	sld [smem:$0x3FFB];
	_ =	sdelay $0x3  }
0x93: {  	_ =	strace s4  }
0x94: {  	s4 =	sld [smem:$0x3FFC];
	_ =	sdelay $0x3  }
0x95: {  	_ =	strace s4  }
0x96: {  	s4 =	sld [smem:$0x3FFD];
	_ =	sdelay $0x3  }
0x97: {  	_ =	strace s4  }
0x98: {  	_ =	strace $0x8FFFFFFF  }
0x99: {  	s20 =	sld [smem:$0x3FDB];
	_ =	sdelay $0x1  }
0x9a: {  	s5 =	simm.s32 $_scs_section_size  }
0x9b: {  	s6 =	simm.s32 $_size__tile_overlayer_lowered;
	s7 =	simm.s32 $_tile_overlayer_lowered  }
0x9c: {  	s23 =	simm.s32 $0x1BFF;
	s22 =	sshll.u32 s7, $0x1;
	s4 =	sadd.s32 s5, s20  }
0x9d: {  	s8 =	simm.s32 $0x0;
	s21 =	sshll.u32 s6, $0x1;
	s6 =	sadd.s32 s22, s4  }
0x9e: {  	[timem:s8], [sflag:s23] =	dma.local [hbm:s6], s21  }
0x9f: {  	_ =	swait.ge [sflag:s23], s21  }
0xa0: {  	s5 =	ssub.s32 $0x0, s21;
	[sflag:s23] =	ssyncset.done $0x0  }
0xa1: {  	[sflag:s23] =	ssyncadd.s32 s5;
	_ =	sdelay $0x1  }
0xa2: {  	s24 =	simm.s32 $0x1B8B  }
0xa3: {  	_ =	swait.ge [sflag:s24], $0x1  }
0xa4: {  	[sflag:s24] =	ssyncset.done $0x0  }
0xa5: {  	s25 =	simm.s32 $0x1B8E;
	[sflag:s24] =	ssyncadd.s32 $0xFFFFFFFF  }
0xa6: {  	s26 =	simm.s32 $execute0_lowered;
	[smem:$0x3FD2] =	sst s25  }
0xa7: {  	s5 =	sshll.u32 s26, $0x1;
	_ =	strace $0x80000046;
	[dreg:$0x1] =	wrdreg $0xFFFFFFFF  }
0xa8: {  	s28 =	simm.s32 $_size_execute0_lowered;
	s4 =	sadd.s32 s4, s5;
	[dreg:$0x0] =	wrdreg $0x0  }
0xa9: {  	s5 =	sshll.u32 s28, $0x1;
	[dreg:$0x2] =	wrdreg s4  }
0xaa: {  	[dreg:$0x3] =	wrdreg s5  }
0xab: {  	[dreg:$0x4] =	wrdreg $0xC0  }
0xac: {  	_ =	task [dreg:s8], $0x5FFFF  }
0xad: {  	[dreg:$0x1] =	wrdreg $0xFFFFFFFF  }
0xae: {  	[dreg:$0x0] =	wrdreg $0x60  }
0xaf: {  	[dreg:$0x2] =	wrdreg s2  }
0xb0: {  	[dreg:$0x3] =	wrdreg s19  }
0xb1: {  	[dreg:$0x4] =	wrdreg $0x55000  }
0xb2: {  	[dreg:$0x5] =	wrdreg $0x9  }
0xb3: {  	_ =	task.clear_ibuf [dreg:s8], $0x6FFFF;
	_ =	strace $0x90000046  }
0xb4: {  	s29 =	simm.s32 $0x9;
	_ =	strace $0x80000048  }
0xb5: {  	_ =	swait.ge [sflag:s29], $0x1  }
0xb6: {  	[sflag:s29] =	ssyncadd.s32 $0xFFFFFFFF  }
0xb7: {  	_ =	strace $0x90000048  }
0xb8: {  	_ =	sfence  }
0xb9: {  	s30 =	sld [smem:$0x0];
	_ =	sdelay $0x2  }
0xba: {  	s31 =	sshll.u32 s1, $0xD;
	s1 =	sshrl.u32 s1, $0x2  }
0xbb: {  	s3 =	sand.u32 $0x4000, s31;
	s1 =	sadd.s32 s1, s30  }
0xbc: {  	s0 =	sor.u32 s3, s0;
	s1 =	sshll.u32 s1, $0x11  }
0xbd: {  	s0 =	sor.u32 s1, s0  }
0xbe: {  	s0 =	sadd.s32 $0x8F2B, s0  }
0xbf: {  	[sflag:s0] =	ssyncadd.remote.s32 $0x1  }
0xc0: {  	_ =	sfence.sel $0xFFFF  }
0xc1: {  	[dreg:$0x0] =	wrdreg $0xFFFFFFFF;
	(pc) =	sbr.abs _section_cstart, $3  }
0xc2: {  	[dreg:$0x1] =	wrdreg $0xFFFFFFFF  }
0xc3: {  	_ =	task.clear_ibuf [dreg:s8], $0x2FFFF;
	_ =	strace $0x9FFFFFFF  }
0xc4: {  	(tm) =	ssettm $0x7FFFFFFF  }
0xc5: {  	_ =	shalt  }
tec
execute0_lowered:
.L_overlay_start_1:
0x0: {  	(tag) =	ssettag $0x1  }
0x1: {  	s6 =	rddreg [dreg:$0x0]  }
0x2: {  	s7 =	rddreg [dreg:$0x1]  }
0x3: {  	s1 =	rddreg [dreg:$0x2]  }
0x4: {  	s0 =	rddreg [dreg:$0x3];
	s3 =	simm.s32 $0x0;
	s4 =	srdreg.scid  }
0x5: {  	s2 =	stileid.u32;
	s12 =	simm.s32 $0x80;
	s13 =	simm.s32 $0x5200  }
0x6: {  	s14 =	simm.s32 $0x1;
	s17 =	simm.s32 $0x20;
	s18 =	simm.s32 $0x10  }
0x7: {  	s19 =	simm.s32 $0x0;
	[smem:$0x7FF] =	sst s3;
	s5 =	smul.u32 $0xA00, s2  }
0x8: {  	s4 =	sand.u32 $0x1, s4;
	s10 =	smul.u32 $0x500, s2;
	s15 =	sshll.u32 s2, $0x6  }
0x9: {  	_ =	strace $0x80000047;
	s8 =	sshll.u32 s4, $0x4;
	s9 =	ssub.s32 $0x2, s4  }
0xa: {  	s4 =	sshll.u32 s4, $0x7;
	s15 =	sor.u32 $0x1C02, s15;
	s8 =	sor.u32 s2, s8  }
0xb: {  	s11 =	sshrl.u32 s9, $0x1;
	s5 =	sshrl.u32 s5, $0x2;
	s10 =	sor.u32 s4, s10  }
0xc: {  	s8 =	smul.u32 $0x9C0, s8;
	s9 =	ssub.s32 s9, s11;
	s4 =	sadd.s32 s5, s1  }
0xd: {  	s31 =	sshrl.u32 s10, $0x3;
	s10 =	simm.s32 $0x2;
	s11 =	simm.s32 $0x4E00  }
0xe: {  	s7 =	sadd.s32 s7, s31;
	s16 =	sshrl.u32 s4, $0x3;
	s5 =	sadd.s32 s6, s8  }
0xf: {  	v0 =	vimm.f32 $1.000000000e+00;
	v1 =	vimm.f32 $0.0e+00;
	s6 =	sadd.s32 $0x13800, s6;
	s8 =	smax.u32 s9, $0x1;
	s9 =	simm.s32 $0x5280  }
.LBB2_1:
0x10: {  	[tilespmem:$0x5200] =	vst v0  }
0x11: {  	[tilespmem:$0x5210] =	vst v0  }
0x12: {  	[tilespmem:$0x5220] =	vst v0  }
0x13: {  	[tilespmem:$0x5230] =	vst v0  }
0x14: {  	[tilespmem:$0x5240] =	vst v0  }
0x15: {  	[tilespmem:$0x5250] =	vst v0  }
0x16: {  	[tilespmem:$0x5260] =	vst v0  }
0x17: {  	[tilespmem:$0x5270] =	vst v0  }
0x18: {  	[tilespmem:$0x5280] =	vst v1  }
0x19: {  	[tilespmem:$0x5290] =	vst v1  }
0x1a: {  	[tilespmem:$0x52A0] =	vst v1  }
0x1b: {  	[tilespmem:$0x52B0] =	vst v1  }
0x1c: {  	[tilespmem:$0x52C0] =	vst v1  }
0x1d: {  	[tilespmem:$0x52D0] =	vst v1  }
0x1e: {  	[tilespmem:$0x52E0] =	vst v1  }
0x1f: {  	[tilespmem:$0x52F0] =	vst v1  }
0x20: {  	[tilespmem:$0x5300] =	vst v1  }
0x21: {  	[tilespmem:$0x5310] =	vst v1  }
0x22: {  	[tilespmem:$0x5320] =	vst v1  }
0x23: {  	[tilespmem:$0x5330] =	vst v1  }
0x24: {  	[tilespmem:$0x5340] =	vst v1  }
0x25: {  	[tilespmem:$0x5350] =	vst v1  }
0x26: {  	[tilespmem:$0x5360] =	vst v1  }
0x27: {  	[tilespmem:$0x5370] =	vst v1  }
0x28: {  	[tilespmem:$0x5380] =	vst v1  }
0x29: {  	[tilespmem:$0x5390] =	vst v1  }
0x2a: {  	[tilespmem:$0x53A0] =	vst v1  }
0x2b: {  	[tilespmem:$0x53B0] =	vst v1  }
0x2c: {  	[tilespmem:$0x53C0] =	vst v1  }
0x2d: {  	[tilespmem:$0x53D0] =	vst v1  }
0x2e: {  	[tilespmem:$0x53E0] =	vst v1  }
0x2f: {  	[tilespmem:$0x53F0] =	vst v1  }
0x30: {  	[tilespmem:$0x5400] =	vst v1  }
0x31: {  	[tilespmem:$0x5410] =	vst v1  }
0x32: {  	[tilespmem:$0x5420] =	vst v1  }
0x33: {  	[tilespmem:$0x5430] =	vst v1  }
0x34: {  	[tilespmem:$0x5440] =	vst v1  }
0x35: {  	[tilespmem:$0x5450] =	vst v1  }
0x36: {  	[tilespmem:$0x5460] =	vst v1  }
0x37: {  	[tilespmem:$0x5470] =	vst v1  }
0x38: {  	[tilespmem:$0x5480] =	vst v1  }
0x39: {  	[tilespmem:$0x5490] =	vst v1  }
0x3a: {  	[tilespmem:$0x54A0] =	vst v1  }
0x3b: {  	[tilespmem:$0x54B0] =	vst v1  }
0x3c: {  	[tilespmem:$0x54C0] =	vst v1  }
0x3d: {  	[tilespmem:$0x54D0] =	vst v1  }
0x3e: {  	[tilespmem:$0x54E0] =	vst v1  }
0x3f: {  	[tilespmem:$0x54F0] =	vst v1  }
0x40: {  	[spmem:s4] =	stream.linear.scatter [tilespmem:s9], [sflag:$0x2], $0x280, $0x38;
	[tilespmem:$0x5780] =	vst v63  }
0x41: {  	_ =	swait.ge [sflag:s10], $0x280  }
0x42: {  	[sflag:s10] =	ssyncset.done $0x0  }
0x43: {  	[sflag:s10] =	ssyncadd.s32 $0xFFFFFD80  }
0x44: {  	[tilespmem:s3], [sflag:$0x2] =	stream.linear.gather [hbm4b:s5+s3], $0x4E00, $0x38;
	[tilespmem:$0x5780] =	vst v63  }
0x45: {  	_ =	swait.ge [sflag:s10], $0x4E00  }
0x46: {  	[sflag:s10] =	ssyncset.done $0x0  }
0x47: {  	[sflag:s10] =	ssyncadd.s32 $0xFFFFB200  }
0x48: {  	[tilespmem:s11], [sflag:$0x2] =	stream.linear.gather [hbm4b:s6+s3], $0x400, $0x38;
	[tilespmem:$0x5780] =	vst v63  }
0x49: {  	_ =	swait.ge [sflag:s10], $0x400  }
0x4a: {  	[sflag:s10] =	ssyncset.done $0x0  }
0x4b: {  	[sflag:s10] =	ssyncadd.s32 $0xFFFFFC00  }
0x4c: {  	s20 =	simm.s32 $0x200;
	[bflag:$0x0] =	sbarrier.arrive $0xFFFF  }
.LBB2_2:
0x4d: {  	p0 =	sne.s32 s20, $0x14600  }
.Ltmp0:
0x4e: {  	_ = 	snop;
	(pc) =	sbr.rel @p0 .LBB2_2-.Ltmp0, $3  }
0x4f: {  	_ =	sdelay $0x1  }
0x50: {  	s21 =	sshra.s32 s20, $0x2;
	s20 =	sadd.s32 $0x400, s20  }
0x51: {  	[spmem:s1] =	stream.indirect.scatter.add.f32 [tilespmem:s13], [sflag:$0x1], $0x1, s21, s12, $0xb8;
	[tilespmem:$0x5780] =	vst v63  }
0x52: {  	_ =	swait.ge [sflag:s14], $0x80  }
0x53: {  	s20 =	simm.s32 $0x51;
	[sflag:s14] =	ssyncset.done $0x0  }
.LBB2_4:
0x54: {  	p0 =	sne.s32 s20, $0x1;
	s20 =	sadd.s32 $0xFFFFFFFF, s20;
	[sflag:s14] =	ssyncadd.s32 $0xFFFFFF80  }
.Ltmp1:
0x55: {  	(pc) =	sbr.rel @p0 .LBB2_4-.Ltmp1, $3  }
0x56: {  	_ =	sdelay $0x1  }
0x57: {  	_ =	swait.ge [sflag:s14], $0x80  }
0x58: {  	[sflag:s14] =	ssyncset.done $0x0  }
0x59: {  	s19 =	sadd.s32 $0x1, s19  }
0x5a: {  	[sflag:s14] =	ssyncadd.s32 $0xFFFFFF80;
	p0 =	sne.s32 s19, s8  }
.Ltmp2:
0x5b: {  	[bflag:$0x0] =	sbarrier.arrive $0xFFFF;
	(pc) =	sbr.rel @p0 .LBB2_1-.Ltmp2, $4  }
0x5c: {  	[hbm:s7@s17], [sflag:s15] =	dma.strided [spmem:s16@s18], $0x50, s14, $0x10   }
0x5d: {  	_ =	swait.ge [sflag:s10], $0x50  }
0x5e: {  	[sflag:s10] =	ssyncset.done $0x0  }
0x5f: {  	[sflag:s10] =	ssyncadd.s32 $0xFFFFFFB0  }
0x60: {  	_ =	sfence.sel $0x180000  }
0x61: {  	[bflag:$0x0] =	sbarrier.arrive $0xFFFF  }
0x62: {  	p0 =	sne.s32 s2, $0x0;
	_ =	strace $0x90000047  }
0x63: {  	s0 =	sadd.s32 @!p0 $0x100000, s0;
	[bflag:$0x2] =	sbarrier.arrive $0xFFFF  }
0x64: {  	[sflag:s0] =	ssyncadd.tile.s32 @!p0 $0x1;
	_ =	shalt  }
.Lfunc_end2:
_tile_overlayer_lowered:
.L_overlay_start_2:
0x65: {  	(tag) =	ssettag $0x2  }
0x66: {  	s0 =	rddreg [dreg:$0x0];
	s2 =	stileid.u32  }
0x67: {  	s1 =	rddreg [dreg:$0x1];
	p0 =	sne.s32 s2, $0x0  }
0x68: {  	s3 =	rddreg [dreg:$0x2];
	[bflag:$0x3] =	sbarrier.arrive $0xFFFF;
	s2 =	simm.s32 @!p0 $0x1C02  }
0x69: {  	[timem:s3], [sflag:s2] =	dma.local @!p0 [hbm:s0], s1  }
0x6a: {  	s0 =	simm.s32 @!p0 $0x2  }
0x6b: {  	_ =	swait.ge @!p0 [sflag:s0], s1  }
0x6c: {  	s1 =	ssub.s32 @!p0 $0x0, s1;
	[sflag:s0] =	ssyncset.done @!p0 $0x0  }
0x6d: {  	[sflag:s0] =	ssyncadd.s32 @!p0 s1  }
0x6e: {  	[bflag:$0x3] =	sbarrier.arrive $0xFFFF  }
0x6f: {  	_ =	shalt  }

</sc_bundles>
